<compile_context>
chip_gen: v7x
topology: tpu7x:2x2x1
jax: 0.10.2.dev20260603
libtpu: 0.0.44.dev20260713+nightly
codegen_flags: <defaults>
</compile_context>

<pallas_src>
import functools

import jax
import jax.numpy as jnp
from jax import lax
from jax.experimental import pallas as pl
from jax.experimental.pallas import tpu as pltpu
from jax.experimental.pallas import tpu_sc as plsc

_NC = 2
_NS = 16
_NW = _NC * _NS
_L = 16

_EPS = 1e-5
_SLOPE = 0.2


def _sc_mesh():
    return plsc.VectorSubcoreMesh(
        core_axis_name="c", subcore_axis_name="s",
        num_cores=_NC, num_subcores=_NS)


@functools.lru_cache(maxsize=None)
def _make_hist(n_bins, e_per_worker):
    def body(idx_hbm, out_hbm, idx_v, cnt_v):
        wid = lax.axis_index("s") * _NC + lax.axis_index("c")
        pltpu.sync_copy(idx_hbm.at[pl.ds(wid * e_per_worker, e_per_worker)],
                        idx_v)
        zeros = jnp.zeros((_L,), jnp.float32)

        def zbody(i, _):
            cnt_v[pl.ds(i * _L, _L)] = zeros
            return 0

        lax.fori_loop(0, n_bins // _L, zbody, 0, unroll=8)
        ones = jnp.ones((_L,), jnp.float32)

        def sbody(i, _):
            iv = idx_v[pl.ds(i * _L, _L)]
            plsc.addupdate_scatter(cnt_v, [iv], ones)
            return 0

        lax.fori_loop(0, e_per_worker // _L, sbody, 0, unroll=5)
        pltpu.sync_copy(cnt_v, out_hbm.at[wid])

    return pl.kernel(
        body,
        out_type=jax.ShapeDtypeStruct((_NW, n_bins), jnp.float32),
        mesh=_sc_mesh(),
        scratch_types=[
            pltpu.VMEM((e_per_worker,), jnp.int32),
            pltpu.VMEM((n_bins,), jnp.float32),
        ],
        compiler_params=pltpu.CompilerParams(needs_layout_passes=False),
    )


def _dense_body(x_ref, cnt_ref, w1_ref, w2_ref, g1_ref, b1_ref, g2_ref,
                b2_ref, g_ref, *, inv_nk, n):
    cnt = cnt_ref[...].sum(axis=0, keepdims=True)[:, :n]
    z = lax.dot_general(x_ref[0], w1_ref[...], (((0,), (0,)), ((), ())),
                        preferred_element_type=jnp.float32)
    s1 = jnp.dot(cnt, z, preferred_element_type=jnp.float32)
    q1 = jnp.dot(cnt, z * z, preferred_element_type=jnp.float32)
    m1 = s1 * inv_nk
    v1 = q1 * inv_nk - m1 * m1
    a1 = g1_ref[...] * lax.rsqrt(v1 + _EPS)
    c1 = b1_ref[...] - m1 * a1
    u = a1 * z + c1
    u = jnp.where(u >= 0, u, _SLOPE * u)
    v = jnp.dot(u, w2_ref[...], preferred_element_type=jnp.float32)
    s2 = jnp.dot(cnt, v, preferred_element_type=jnp.float32)
    q2 = jnp.dot(cnt, v * v, preferred_element_type=jnp.float32)
    m2 = s2 * inv_nk
    v2 = q2 * inv_nk - m2 * m2
    a2 = g2_ref[...] * lax.rsqrt(v2 + _EPS)
    c2 = b2_ref[...] - m2 * a2
    g = a2 * v + c2
    g_ref[pl.ds(0, n), :] = jnp.where(g >= 0, g, _SLOPE * g).astype(
        jnp.bfloat16)
    pad = g_ref.shape[0] - n
    if pad:
        g_ref[pl.ds(n, pad), :] = jnp.zeros((pad, g.shape[1]), jnp.bfloat16)


def _dense(x, counts, w1t, w2t, g1, b1, g2, b2, nk, n_tab):
    n = x.shape[2]
    o = w2t.shape[1]
    return pl.pallas_call(
        functools.partial(_dense_body, inv_nk=1.0 / float(nk), n=n),
        out_shape=jax.ShapeDtypeStruct((n_tab, o), jnp.bfloat16),
    )(x, counts, w1t, w2t, g1, b1, g2, b2)


@functools.lru_cache(maxsize=None)
def _make_gmax(n_rows, n_chunks, k, d_out):
    rows_per_chunk = 128
    dests_per_chunk = rows_per_chunk // k
    dests_per_worker = n_chunks * dests_per_chunk
    d_w = d_out // 2
    nvec = d_w // _L
    stripe = n_rows // _NS

    def body(g_hbm, idx_hbm, out_hbm, idx_v, rows_a, out_v, stage_v,
             g_sh, sem_a):
        sid = lax.axis_index("s")
        wid = sid * _NC + lax.axis_index("c")
        pltpu.sync_copy(g_hbm.at[pl.ds(sid * stripe, stripe)], stage_v)
        pltpu.sync_copy(stage_v, g_sh.at[pl.ds(sid * stripe, stripe)])
        pltpu.sync_copy(idx_hbm.at[wid], idx_v)
        plsc.subcore_barrier()

        def compute(c, rows_v):
            def jbody(j, accs):
                out = []
                for d in range(dests_per_chunk):
                    for l in range(nvec):
                        val = plsc.bitcast(
                            rows_v[d * k + j, pl.ds(l * _L, _L)],
                            jnp.bfloat16)
                        out.append(jnp.maximum(accs[d * nvec + l], val))
                return tuple(out)

            init = tuple(plsc.bitcast(rows_v[d * k, pl.ds(l * _L, _L)],
                                      jnp.bfloat16)
                         for d in range(dests_per_chunk)
                         for l in range(nvec))
            accs = lax.fori_loop(1, k, jbody, init, unroll=4)
            for d in range(dests_per_chunk):
                for l in range(nvec):
                    out_v[c * dests_per_chunk + d, pl.ds(l * _L, _L)] = (
                        plsc.bitcast(accs[d * nvec + l], jnp.float32))

        def chunk(c, _):
            pltpu.async_copy(g_sh.at[idx_v.at[c]], rows_a, sem_a).wait()
            compute(c, rows_a)
            return 0

        lax.fori_loop(0, n_chunks, chunk, 0)
        pltpu.sync_copy(out_v, out_hbm.at[wid])

    return pl.kernel(
        body,
        out_type=jax.ShapeDtypeStruct((_NW, dests_per_worker, d_w),
                                      jnp.float32),
        mesh=_sc_mesh(),
        scratch_types=[
            pltpu.VMEM((n_chunks, rows_per_chunk), jnp.int32),
            pltpu.VMEM((rows_per_chunk, d_w), jnp.float32),
            pltpu.VMEM((dests_per_worker, d_w), jnp.float32),
            pltpu.VMEM((stripe, d_w), jnp.float32),
            pltpu.VMEM_SHARED((n_rows, d_w), jnp.float32),
            pltpu.SemaphoreType.DMA,
        ],
        compiler_params=pltpu.CompilerParams(needs_layout_passes=False,
                                             use_tc_tiling_on_sc=False),
    )


def kernel(x, idx, k, W1, gamma1, beta1, W2, gamma2, beta2):
    B, C, N = x.shape
    K = idx.shape[2]
    H = W1.shape[0]
    O = W2.shape[0]

    off = jnp.asarray(k - K, dtype=idx.dtype)
    idx_flat = idx.reshape(B * N * K) + off

    n_tab = -(-N // 256) * 256

    counts = _make_hist(n_tab, (N * K) // _NW)(idx_flat)

    G = _dense(x, counts, jnp.transpose(W1), jnp.transpose(W2),
               gamma1.reshape(1, H), beta1.reshape(1, H),
               gamma2.reshape(1, O), beta2.reshape(1, O), N * K, n_tab)

    rows_per_chunk = 128
    dests_per_chunk = rows_per_chunk // K
    dpw = -(-N // (_NW * dests_per_chunk)) * dests_per_chunk
    n_pad = _NW * dpw
    pad = jnp.zeros(((n_pad - N) * K,), dtype=idx.dtype)
    idx_g = jnp.concatenate([idx_flat, pad]).reshape(
        _NW, (dpw * K) // rows_per_chunk, rows_per_chunk)

    Gp = lax.bitcast_convert_type(G.reshape(n_tab, O // 2, 2), jnp.float32)
    out_w = _make_gmax(n_tab, (dpw * K) // rows_per_chunk, K, O)(Gp, idx_g)
    out_bf = lax.bitcast_convert_type(out_w, jnp.bfloat16)
    out = (out_bf.reshape(n_pad, O)[:N].astype(jnp.float32)
           .T.reshape(1, O, N))
    return (out, idx)

# --- scband reference (transcript-rebuilt; emitter-appended) ---
"""Pipeline reference for scband-graph-conv-block-69621419868373 (READ-ONLY COPY).

The authoritative reference and input builder live on the scoring server;
editing this copy changes nothing except your own understanding.
"""

import jax, jax.numpy as jnp
import numpy as np


def leaky_relu(x, slope=0.2):
    return jnp.where(x >= 0, x, slope * x)


def batchnorm(y, gamma, beta, eps=1e-5):
    # BatchNorm2d with track_running_stats=False: always uses batch stats (biased var)
    mean = y.mean(axis=(0, 2, 3), keepdims=True)
    var = y.var(axis=(0, 2, 3), keepdims=True)
    yhat = (y - mean) / jnp.sqrt(var + eps)
    return gamma.reshape(1, -1, 1, 1) * yhat + beta.reshape(1, -1, 1, 1)


def setup_inputs(seed: int = 0) -> dict:
    key = jax.random.key(seed)
    k1, k2, k3, k4 = jax.random.split(key, 4)
    B, C, N, K = 1, 128, 10000, 32
    hidden, out_c = 64, 64
    x = jax.random.normal(k1, (B, C, N), dtype=jnp.float32)
    idx = jax.random.randint(k2, (B, N, K), 0, N, dtype=jnp.int32)
    # 1x1 conv weights (bias=False), kaiming-ish init
    W1 = jax.random.normal(k3, (hidden, C), dtype=jnp.float32) * (1.0 / np.sqrt(C))
    W2 = jax.random.normal(k4, (out_c, hidden), dtype=jnp.float32) * (1.0 / np.sqrt(hidden))
    gamma1 = jnp.ones((hidden,), dtype=jnp.float32)
    beta1 = jnp.zeros((hidden,), dtype=jnp.float32)
    gamma2 = jnp.ones((out_c,), dtype=jnp.float32)
    beta2 = jnp.zeros((out_c,), dtype=jnp.float32)
    return {"x": x, "idx": idx, "k": K, "W1": W1, "gamma1": gamma1, "beta1": beta1,
            "W2": W2, "gamma2": gamma2, "beta2": beta2}


def reference(x, idx, k, W1, gamma1, beta1, W2, gamma2, beta2):
    B, C, N = x.shape
    k_static = idx.shape[2]
    # get_graph_feature with edge_function='global', idx provided
    idx_base = jnp.arange(B, dtype=idx.dtype).reshape(-1, 1, 1) * N
    idx_flat = (idx + idx_base).reshape(-1) + jnp.asarray(k - k_static, dtype=idx.dtype)
    xt = jnp.transpose(x, (0, 2, 1)).reshape(B * N, C)
    feature = jnp.take(xt, idx_flat, axis=0).reshape(B, N, k_static, C)
    feature = jnp.transpose(feature, (0, 3, 1, 2))  # [B, C, N, k]
    # conv block: 1x1 conv -> BN -> LeakyReLU -> 1x1 conv -> BN -> LeakyReLU
    y = jnp.einsum('oc,bcnk->bonk', W1, feature)
    y = leaky_relu(batchnorm(y, gamma1, beta1))
    y = jnp.einsum('oc,bcnk->bonk', W2, y)
    y = leaky_relu(batchnorm(y, gamma2, beta2))
    out = y.max(axis=-1)  # [B, out_channels, N]
    return (out, idx)

if __name__ == "__main__":
    import jax
    _d = setup_inputs()
    print(jax.jit(kernel)(*tuple(_d.values())))

</pallas_src>

<mosaic_0001>
#map = affine_map<(d0, d1) -> (0)>
#map1 = affine_map<(d0, d1) -> (0, 0)>
module attributes {stable_mosaic.version = 14 : i64} {
  func.func @body(%arg0: i32, %arg1: i32, %arg2: memref<320000xi32, #tpu.memory_space<hbm>>, %arg3: memref<32x10240xf32, #tpu.memory_space<hbm>>, %arg4: memref<10000xi32, #tpu.memory_space<vmem>>, %arg5: memref<10240xf32, #tpu.memory_space<vmem>>) attributes {dimension_semantics = [#tpu.dimension_semantics<core_parallel>, #tpu.dimension_semantics<subcore_parallel>], iteration_bounds = array<i64: 2, 16>, scalar_prefetch = 0 : i64, scratch_operands = 2 : i64, tpu.core_type = #tpu.core_type<sc_vector_subcore>, window_params = [{transform_indices = #map}, {transform_indices = #map1}]} {
    %mul3A = arith.constant 2 : i32
    %mul3A_0 = arith.muli %arg1, %mul3A : i32
    %add3A = arith.addi %mul3A_0, %arg0 : i32
    %mul3A_1 = arith.constant 10000 : i32
    %mul3A_2 = arith.muli %add3A, %mul3A_1 : i32
    "tpu.region"() ({
      %run_scoped3A = tpu.sem_alloc : memref<!tpu.dma_semaphore, #tpu.memory_space<semaphore_mem>>
      %dma_start3A = tpu.memref_slice %arg2[%mul3A_2] : memref<320000xi32, #tpu.memory_space<hbm>> -> memref<10000xi32, #tpu.memory_space<hbm>>
      %dma_start3A_19 = tpu.memref_slice %arg2[%mul3A_2] : memref<320000xi32, #tpu.memory_space<hbm>> -> memref<10000xi32, #tpu.memory_space<hbm>>
      tpu.enqueue_dma source(%dma_start3A_19 : memref<10000xi32, #tpu.memory_space<hbm>>) target(%arg4 : memref<10000xi32, #tpu.memory_space<vmem>>) target_semaphore(%run_scoped3A : memref<!tpu.dma_semaphore, #tpu.memory_space<semaphore_mem>>)
      %dma_wait3A = tpu.memref_slice %arg2[%mul3A_2] : memref<320000xi32, #tpu.memory_space<hbm>> -> memref<10000xi32, #tpu.memory_space<hbm>>
      %dma_wait3A_20 = tpu.memref_slice %arg2[%mul3A_2] : memref<320000xi32, #tpu.memory_space<hbm>> -> memref<10000xi32, #tpu.memory_space<hbm>>
      tpu.wait_dma2 semaphore(%run_scoped3A : memref<!tpu.dma_semaphore, #tpu.memory_space<semaphore_mem>>) src(%dma_wait3A_20 : memref<10000xi32, #tpu.memory_space<hbm>>) dst(%arg4 : memref<10000xi32, #tpu.memory_space<vmem>>)
      tpu.yield
    }) : () -> ()
    %broadcast_in_dim3A = arith.constant 0.000000e+00 : f32
    %broadcast_in_dim3A_3 = vector.broadcast %broadcast_in_dim3A : f32 to vector<16xf32>
    %scan3A = arith.constant 0 : i32
    %scan3A_4 = arith.constant 0 : i32
    %scan3A_5 = arith.constant 640 : i32
    %scan3A_6 = arith.addi %scan3A_4, %scan3A_5 : i32
    %scan3A_7 = arith.constant 8 : i32
    %scan3A_8 = scf.for %scan3A_19 = %scan3A_4 to %scan3A_6 step %scan3A_7 iter_args(%scan3A_20 = %scan3A) -> (i32)  : i32 {
      %mul3A_21 = arith.constant 16 : i32
      %mul3A_22 = arith.muli %scan3A_19, %mul3A_21 : i32
      %swap3A = arith.index_cast %mul3A_22 : i32 to index
      %swap3A_23 = tpu.vector_load %arg5[%swap3A] {strides = array<i32>} : memref<10240xf32, #tpu.memory_space<vmem>>, vector<16xf32>,
      tpu.vector_store %arg5[%swap3A], %broadcast_in_dim3A_3 {strides = array<i32>} : memref<10240xf32, #tpu.memory_space<vmem>>, vector<16xf32>,
      %scan3A_24 = arith.constant 0 : i32
      %scan3A_25 = arith.constant 1 : i32
      %scan3A_26 = arith.addi %scan3A_19, %scan3A_25 : i32
      %mul3A_27 = arith.constant 16 : i32
      %mul3A_28 = arith.muli %scan3A_26, %mul3A_27 : i32
      %swap3A_29 = arith.index_cast %mul3A_28 : i32 to index
      %swap3A_30 = tpu.vector_load %arg5[%swap3A_29] {strides = array<i32>} : memref<10240xf32, #tpu.memory_space<vmem>>, vector<16xf32>,
      tpu.vector_store %arg5[%swap3A_29], %broadcast_in_dim3A_3 {strides = array<i32>} : memref<10240xf32, #tpu.memory_space<vmem>>, vector<16xf32>,
      %scan3A_31 = arith.constant 0 : i32
      %scan3A_32 = arith.constant 2 : i32
      %scan3A_33 = arith.addi %scan3A_19, %scan3A_32 : i32
      %mul3A_34 = arith.constant 16 : i32
      %mul3A_35 = arith.muli %scan3A_33, %mul3A_34 : i32
      %swap3A_36 = arith.index_cast %mul3A_35 : i32 to index
      %swap3A_37 = tpu.vector_load %arg5[%swap3A_36] {strides = array<i32>} : memref<10240xf32, #tpu.memory_space<vmem>>, vector<16xf32>,
      tpu.vector_store %arg5[%swap3A_36], %broadcast_in_dim3A_3 {strides = array<i32>} : memref<10240xf32, #tpu.memory_space<vmem>>, vector<16xf32>,
      %scan3A_38 = arith.constant 0 : i32
      %scan3A_39 = arith.constant 3 : i32
      %scan3A_40 = arith.addi %scan3A_19, %scan3A_39 : i32
      %mul3A_41 = arith.constant 16 : i32
      %mul3A_42 = arith.muli %scan3A_40, %mul3A_41 : i32
      %swap3A_43 = arith.index_cast %mul3A_42 : i32 to index
      %swap3A_44 = tpu.vector_load %arg5[%swap3A_43] {strides = array<i32>} : memref<10240xf32, #tpu.memory_space<vmem>>, vector<16xf32>,
      tpu.vector_store %arg5[%swap3A_43], %broadcast_in_dim3A_3 {strides = array<i32>} : memref<10240xf32, #tpu.memory_space<vmem>>, vector<16xf32>,
      %scan3A_45 = arith.constant 0 : i32
      %scan3A_46 = arith.constant 4 : i32
      %scan3A_47 = arith.addi %scan3A_19, %scan3A_46 : i32
      %mul3A_48 = arith.constant 16 : i32
      %mul3A_49 = arith.muli %scan3A_47, %mul3A_48 : i32
      %swap3A_50 = arith.index_cast %mul3A_49 : i32 to index
      %swap3A_51 = tpu.vector_load %arg5[%swap3A_50] {strides = array<i32>} : memref<10240xf32, #tpu.memory_space<vmem>>, vector<16xf32>,
      tpu.vector_store %arg5[%swap3A_50], %broadcast_in_dim3A_3 {strides = array<i32>} : memref<10240xf32, #tpu.memory_space<vmem>>, vector<16xf32>,
      %scan3A_52 = arith.constant 0 : i32
      %scan3A_53 = arith.constant 5 : i32
      %scan3A_54 = arith.addi %scan3A_19, %scan3A_53 : i32
      %mul3A_55 = arith.constant 16 : i32
      %mul3A_56 = arith.muli %scan3A_54, %mul3A_55 : i32
      %swap3A_57 = arith.index_cast %mul3A_56 : i32 to index
      %swap3A_58 = tpu.vector_load %arg5[%swap3A_57] {strides = array<i32>} : memref<10240xf32, #tpu.memory_space<vmem>>, vector<16xf32>,
      tpu.vector_store %arg5[%swap3A_57], %broadcast_in_dim3A_3 {strides = array<i32>} : memref<10240xf32, #tpu.memory_space<vmem>>, vector<16xf32>,
      %scan3A_59 = arith.constant 0 : i32
      %scan3A_60 = arith.constant 6 : i32
      %scan3A_61 = arith.addi %scan3A_19, %scan3A_60 : i32
      %mul3A_62 = arith.constant 16 : i32
      %mul3A_63 = arith.muli %scan3A_61, %mul3A_62 : i32
      %swap3A_64 = arith.index_cast %mul3A_63 : i32 to index
      %swap3A_65 = tpu.vector_load %arg5[%swap3A_64] {strides = array<i32>} : memref<10240xf32, #tpu.memory_space<vmem>>, vector<16xf32>,
      tpu.vector_store %arg5[%swap3A_64], %broadcast_in_dim3A_3 {strides = array<i32>} : memref<10240xf32, #tpu.memory_space<vmem>>, vector<16xf32>,
      %scan3A_66 = arith.constant 0 : i32
      %scan3A_67 = arith.constant 7 : i32
      %scan3A_68 = arith.addi %scan3A_19, %scan3A_67 : i32
      %mul3A_69 = arith.constant 16 : i32
      %mul3A_70 = arith.muli %scan3A_68, %mul3A_69 : i32
      %swap3A_71 = arith.index_cast %mul3A_70 : i32 to index
      %swap3A_72 = tpu.vector_load %arg5[%swap3A_71] {strides = array<i32>} : memref<10240xf32, #tpu.memory_space<vmem>>, vector<16xf32>,
      tpu.vector_store %arg5[%swap3A_71], %broadcast_in_dim3A_3 {strides = array<i32>} : memref<10240xf32, #tpu.memory_space<vmem>>, vector<16xf32>,
      %scan3A_73 = arith.constant 0 : i32
      scf.yield %scan3A_73 : i32
    }
    %scan3A_9 = arith.constant 640 : i32
    %broadcast_in_dim3A_10 = arith.constant 1.000000e+00 : f32
    %broadcast_in_dim3A_11 = vector.broadcast %broadcast_in_dim3A_10 : f32 to vector<16xf32>
    %scan3A_12 = arith.constant 0 : i32
    %scan3A_13 = arith.constant 0 : i32
    %scan3A_14 = arith.constant 625 : i32
    %scan3A_15 = arith.addi %scan3A_13, %scan3A_14 : i32
    %scan3A_16 = arith.constant 5 : i32
    %scan3A_17 = scf.for %scan3A_19 = %scan3A_13 to %scan3A_15 step %scan3A_16 iter_args(%scan3A_20 = %scan3A_12) -> (i32)  : i32 {
      %mul3A_21 = arith.constant 16 : i32
      %mul3A_22 = arith.muli %scan3A_19, %mul3A_21 : i32
      %get3A = arith.index_cast %mul3A_22 : i32 to index
      %get3A_23 = tpu.vector_load %arg4[%get3A] {strides = array<i32>} : memref<10000xi32, #tpu.memory_space<vmem>>, vector<16xi32>,
      tpu.vector_store_idx %arg5[%get3A_23], %broadcast_in_dim3A_11 {add = true} : memref<10240xf32, #tpu.memory_space<vmem>>[vector<16xi32>], vector<16xf32>,
      %scan3A_24 = arith.constant 0 : i32
      %scan3A_25 = arith.constant 1 : i32
      %scan3A_26 = arith.addi %scan3A_19, %scan3A_25 : i32
      %mul3A_27 = arith.constant 16 : i32
      %mul3A_28 = arith.muli %scan3A_26, %mul3A_27 : i32
      %get3A_29 = arith.index_cast %mul3A_28 : i32 to index
      %get3A_30 = tpu.vector_load %arg4[%get3A_29] {strides = array<i32>} : memref<10000xi32, #tpu.memory_space<vmem>>, vector<16xi32>,
      tpu.vector_store_idx %arg5[%get3A_30], %broadcast_in_dim3A_11 {add = true} : memref<10240xf32, #tpu.memory_space<vmem>>[vector<16xi32>], vector<16xf32>,
      %scan3A_31 = arith.constant 0 : i32
      %scan3A_32 = arith.constant 2 : i32
      %scan3A_33 = arith.addi %scan3A_19, %scan3A_32 : i32
      %mul3A_34 = arith.constant 16 : i32
      %mul3A_35 = arith.muli %scan3A_33, %mul3A_34 : i32
      %get3A_36 = arith.index_cast %mul3A_35 : i32 to index
      %get3A_37 = tpu.vector_load %arg4[%get3A_36] {strides = array<i32>} : memref<10000xi32, #tpu.memory_space<vmem>>, vector<16xi32>,
      tpu.vector_store_idx %arg5[%get3A_37], %broadcast_in_dim3A_11 {add = true} : memref<10240xf32, #tpu.memory_space<vmem>>[vector<16xi32>], vector<16xf32>,
      %scan3A_38 = arith.constant 0 : i32
      %scan3A_39 = arith.constant 3 : i32
      %scan3A_40 = arith.addi %scan3A_19, %scan3A_39 : i32
      %mul3A_41 = arith.constant 16 : i32
      %mul3A_42 = arith.muli %scan3A_40, %mul3A_41 : i32
      %get3A_43 = arith.index_cast %mul3A_42 : i32 to index
      %get3A_44 = tpu.vector_load %arg4[%get3A_43] {strides = array<i32>} : memref<10000xi32, #tpu.memory_space<vmem>>, vector<16xi32>,
      tpu.vector_store_idx %arg5[%get3A_44], %broadcast_in_dim3A_11 {add = true} : memref<10240xf32, #tpu.memory_space<vmem>>[vector<16xi32>], vector<16xf32>,
      %scan3A_45 = arith.constant 0 : i32
      %scan3A_46 = arith.constant 4 : i32
      %scan3A_47 = arith.addi %scan3A_19, %scan3A_46 : i32
      %mul3A_48 = arith.constant 16 : i32
      %mul3A_49 = arith.muli %scan3A_47, %mul3A_48 : i32
      %get3A_50 = arith.index_cast %mul3A_49 : i32 to index
      %get3A_51 = tpu.vector_load %arg4[%get3A_50] {strides = array<i32>} : memref<10000xi32, #tpu.memory_space<vmem>>, vector<16xi32>,
      tpu.vector_store_idx %arg5[%get3A_51], %broadcast_in_dim3A_11 {add = true} : memref<10240xf32, #tpu.memory_space<vmem>>[vector<16xi32>], vector<16xf32>,
      %scan3A_52 = arith.constant 0 : i32
      scf.yield %scan3A_52 : i32
    }
    %scan3A_18 = arith.constant 625 : i32
    "tpu.region"() ({
      %run_scoped3A = tpu.sem_alloc : memref<!tpu.dma_semaphore, #tpu.memory_space<semaphore_mem>>
      %dma_start3A = arith.constant 0 : i32
      %dma_start3A_19 = tpu.memref_slice %arg3[%add3A, %dma_start3A] : memref<32x10240xf32, #tpu.memory_space<hbm>> -> memref<1x10240xf32, #tpu.memory_space<hbm>>
      %dma_start3A_20 = tpu.memref_squeeze %dma_start3A_19 : memref<1x10240xf32, #tpu.memory_space<hbm>> -> memref<10240xf32, #tpu.memory_space<hbm>>
      %dma_start3A_21 = arith.constant 0 : i32
      %dma_start3A_22 = tpu.memref_slice %arg3[%add3A, %dma_start3A_21] : memref<32x10240xf32, #tpu.memory_space<hbm>> -> memref<1x10240xf32, #tpu.memory_space<hbm>>
      %dma_start3A_23 = tpu.memref_squeeze %dma_start3A_22 : memref<1x10240xf32, #tpu.memory_space<hbm>> -> memref<10240xf32, #tpu.memory_space<hbm>>
      tpu.enqueue_dma source(%arg5 : memref<10240xf32, #tpu.memory_space<vmem>>) target(%dma_start3A_23 : memref<10240xf32, #tpu.memory_space<hbm>>) target_semaphore(%run_scoped3A : memref<!tpu.dma_semaphore, #tpu.memory_space<semaphore_mem>>)
      %dma_wait3A = arith.constant 0 : i32
      %dma_wait3A_24 = tpu.memref_slice %arg3[%add3A, %dma_wait3A] : memref<32x10240xf32, #tpu.memory_space<hbm>> -> memref<1x10240xf32, #tpu.memory_space<hbm>>
      %dma_wait3A_25 = tpu.memref_squeeze %dma_wait3A_24 : memref<1x10240xf32, #tpu.memory_space<hbm>> -> memref<10240xf32, #tpu.memory_space<hbm>>
      %dma_wait3A_26 = arith.constant 0 : i32
      %dma_wait3A_27 = tpu.memref_slice %arg3[%add3A, %dma_wait3A_26] : memref<32x10240xf32, #tpu.memory_space<hbm>> -> memref<1x10240xf32, #tpu.memory_space<hbm>>
      %dma_wait3A_28 = tpu.memref_squeeze %dma_wait3A_27 : memref<1x10240xf32, #tpu.memory_space<hbm>> -> memref<10240xf32, #tpu.memory_space<hbm>>
      tpu.wait_dma2 semaphore(%run_scoped3A : memref<!tpu.dma_semaphore, #tpu.memory_space<semaphore_mem>>) src(%arg5 : memref<10240xf32, #tpu.memory_space<vmem>>) dst(%dma_wait3A_28 : memref<10240xf32, #tpu.memory_space<hbm>>)
      tpu.yield
    }) : () -> ()
    return
  }
}

#map = affine_map<(d0, d1) -> (0, 0)>
#map1 = affine_map<(d0, d1) -> (0, 0, 0)>
module attributes {stable_mosaic.version = 14 : i64} {
  func.func @body(%arg0: i32, %arg1: i32, %arg2: memref<10240x32xf32, #tpu.memory_space<hbm>>, %arg3: memref<32x79x128xi32, #tpu.memory_space<hbm>>, %arg4: memref<32x316x32xf32, #tpu.memory_space<hbm>>, %arg5: memref<79x128xi32, #tpu.memory_space<vmem>>, %arg6: memref<128x32xf32, #tpu.memory_space<vmem>>, %arg7: memref<316x32xf32, #tpu.memory_space<vmem>>, %arg8: memref<640x32xf32, #tpu.memory_space<vmem>>, %arg9: memref<10240x32xf32, #tpu.memory_space<vmem_shared>>, %arg10: memref<!tpu.dma_semaphore, #tpu.memory_space<semaphore_mem>>) attributes {dimension_semantics = [#tpu.dimension_semantics<core_parallel>, #tpu.dimension_semantics<subcore_parallel>], iteration_bounds = array<i64: 2, 16>, scalar_prefetch = 0 : i64, scratch_operands = 6 : i64, tpu.core_type = #tpu.core_type<sc_vector_subcore>, window_params = [{transform_indices = #map}, {transform_indices = #map1}, {transform_indices = #map1}]} {
    %mul3A = arith.constant 2 : i32
    %mul3A_0 = arith.muli %arg1, %mul3A : i32
    %add3A = arith.addi %mul3A_0, %arg0 : i32
    %mul3A_1 = arith.constant 640 : i32
    %mul3A_2 = arith.muli %arg1, %mul3A_1 : i32
    "tpu.region"() ({
      %run_scoped3A = tpu.sem_alloc : memref<!tpu.dma_semaphore, #tpu.memory_space<semaphore_mem>>
      %dma_start3A = arith.constant 0 : i32
      %dma_start3A_11 = tpu.memref_slice %arg2[%mul3A_2, %dma_start3A] : memref<10240x32xf32, #tpu.memory_space<hbm>> -> memref<640x32xf32, #tpu.memory_space<hbm>>
      %dma_start3A_12 = arith.constant 0 : i32
      %dma_start3A_13 = tpu.memref_slice %arg2[%mul3A_2, %dma_start3A_12] : memref<10240x32xf32, #tpu.memory_space<hbm>> -> memref<640x32xf32, #tpu.memory_space<hbm>>
      tpu.enqueue_dma source(%dma_start3A_13 : memref<640x32xf32, #tpu.memory_space<hbm>>) target(%arg8 : memref<640x32xf32, #tpu.memory_space<vmem>>) target_semaphore(%run_scoped3A : memref<!tpu.dma_semaphore, #tpu.memory_space<semaphore_mem>>)
      %dma_wait3A = arith.constant 0 : i32
      %dma_wait3A_14 = tpu.memref_slice %arg2[%mul3A_2, %dma_wait3A] : memref<10240x32xf32, #tpu.memory_space<hbm>> -> memref<640x32xf32, #tpu.memory_space<hbm>>
      %dma_wait3A_15 = arith.constant 0 : i32
      %dma_wait3A_16 = tpu.memref_slice %arg2[%mul3A_2, %dma_wait3A_15] : memref<10240x32xf32, #tpu.memory_space<hbm>> -> memref<640x32xf32, #tpu.memory_space<hbm>>
      tpu.wait_dma2 semaphore(%run_scoped3A : memref<!tpu.dma_semaphore, #tpu.memory_space<semaphore_mem>>) src(%dma_wait3A_16 : memref<640x32xf32, #tpu.memory_space<hbm>>) dst(%arg8 : memref<640x32xf32, #tpu.memory_space<vmem>>)
      tpu.yield
    }) : () -> ()
    %mul3A_3 = arith.constant 640 : i32
    %mul3A_4 = arith.muli %arg1, %mul3A_3 : i32
    "tpu.region"() ({
      %run_scoped3A = tpu.sem_alloc : memref<!tpu.dma_semaphore, #tpu.memory_space<semaphore_mem>>
      %dma_start3A = arith.constant 0 : i32
      %dma_start3A_11 = tpu.memref_slice %arg9[%mul3A_4, %dma_start3A] : memref<10240x32xf32, #tpu.memory_space<vmem_shared>> -> memref<640x32xf32, #tpu.memory_space<vmem_shared>>
      %dma_start3A_12 = arith.constant 0 : i32
      %dma_start3A_13 = tpu.memref_slice %arg9[%mul3A_4, %dma_start3A_12] : memref<10240x32xf32, #tpu.memory_space<vmem_shared>> -> memref<640x32xf32, #tpu.memory_space<vmem_shared>>
      tpu.enqueue_dma source(%arg8 : memref<640x32xf32, #tpu.memory_space<vmem>>) target(%dma_start3A_13 : memref<640x32xf32, #tpu.memory_space<vmem_shared>>) target_semaphore(%run_scoped3A : memref<!tpu.dma_semaphore, #tpu.memory_space<semaphore_mem>>)
      %dma_wait3A = arith.constant 0 : i32
      %dma_wait3A_14 = tpu.memref_slice %arg9[%mul3A_4, %dma_wait3A] : memref<10240x32xf32, #tpu.memory_space<vmem_shared>> -> memref<640x32xf32, #tpu.memory_space<vmem_shared>>
      %dma_wait3A_15 = arith.constant 0 : i32
      %dma_wait3A_16 = tpu.memref_slice %arg9[%mul3A_4, %dma_wait3A_15] : memref<10240x32xf32, #tpu.memory_space<vmem_shared>> -> memref<640x32xf32, #tpu.memory_space<vmem_shared>>
      tpu.wait_dma2 semaphore(%run_scoped3A : memref<!tpu.dma_semaphore, #tpu.memory_space<semaphore_mem>>) src(%arg8 : memref<640x32xf32, #tpu.memory_space<vmem>>) dst(%dma_wait3A_16 : memref<640x32xf32, #tpu.memory_space<vmem_shared>>)
      tpu.yield
    }) : () -> ()
    "tpu.region"() ({
      %run_scoped3A = tpu.sem_alloc : memref<!tpu.dma_semaphore, #tpu.memory_space<semaphore_mem>>
      %dma_start3A = arith.constant 0 : i32
      %dma_start3A_11 = arith.constant 0 : i32
      %dma_start3A_12 = tpu.memref_slice %arg3[%add3A, %dma_start3A, %dma_start3A_11] : memref<32x79x128xi32, #tpu.memory_space<hbm>> -> memref<1x79x128xi32, #tpu.memory_space<hbm>>
      %dma_start3A_13 = tpu.memref_squeeze %dma_start3A_12 : memref<1x79x128xi32, #tpu.memory_space<hbm>> -> memref<79x128xi32, #tpu.memory_space<hbm>>
      %dma_start3A_14 = arith.constant 0 : i32
      %dma_start3A_15 = arith.constant 0 : i32
      %dma_start3A_16 = tpu.memref_slice %arg3[%add3A, %dma_start3A_14, %dma_start3A_15] : memref<32x79x128xi32, #tpu.memory_space<hbm>> -> memref<1x79x128xi32, #tpu.memory_space<hbm>>
      %dma_start3A_17 = tpu.memref_squeeze %dma_start3A_16 : memref<1x79x128xi32, #tpu.memory_space<hbm>> -> memref<79x128xi32, #tpu.memory_space<hbm>>
      tpu.enqueue_dma source(%dma_start3A_17 : memref<79x128xi32, #tpu.memory_space<hbm>>) target(%arg5 : memref<79x128xi32, #tpu.memory_space<vmem>>) target_semaphore(%run_scoped3A : memref<!tpu.dma_semaphore, #tpu.memory_space<semaphore_mem>>)
      %dma_wait3A = arith.constant 0 : i32
      %dma_wait3A_18 = arith.constant 0 : i32
      %dma_wait3A_19 = tpu.memref_slice %arg3[%add3A, %dma_wait3A, %dma_wait3A_18] : memref<32x79x128xi32, #tpu.memory_space<hbm>> -> memref<1x79x128xi32, #tpu.memory_space<hbm>>
      %dma_wait3A_20 = tpu.memref_squeeze %dma_wait3A_19 : memref<1x79x128xi32, #tpu.memory_space<hbm>> -> memref<79x128xi32, #tpu.memory_space<hbm>>
      %dma_wait3A_21 = arith.constant 0 : i32
      %dma_wait3A_22 = arith.constant 0 : i32
      %dma_wait3A_23 = tpu.memref_slice %arg3[%add3A, %dma_wait3A_21, %dma_wait3A_22] : memref<32x79x128xi32, #tpu.memory_space<hbm>> -> memref<1x79x128xi32, #tpu.memory_space<hbm>>
      %dma_wait3A_24 = tpu.memref_squeeze %dma_wait3A_23 : memref<1x79x128xi32, #tpu.memory_space<hbm>> -> memref<79x128xi32, #tpu.memory_space<hbm>>
      tpu.wait_dma2 semaphore(%run_scoped3A : memref<!tpu.dma_semaphore, #tpu.memory_space<semaphore_mem>>) src(%dma_wait3A_24 : memref<79x128xi32, #tpu.memory_space<hbm>>) dst(%arg5 : memref<79x128xi32, #tpu.memory_space<vmem>>)
      tpu.yield
    }) : () -> ()
    %barrier3A = arith.constant 0 : index
    tpu.barrier barrier_id(%barrier3A)
    %scan3A = arith.constant 0 : i32
    %scan3A_5 = arith.constant 0 : i32
    %scan3A_6 = arith.constant 79 : i32
    %scan3A_7 = arith.addi %scan3A_5, %scan3A_6 : i32
    %scan3A_8 = arith.constant 1 : i32
    %scan3A_9 = scf.for %scan3A_11 = %scan3A_5 to %scan3A_7 step %scan3A_8 iter_args(%scan3A_12 = %scan3A) -> (i32)  : i32 {
      %dma_start3A = arith.constant 0 : i32
      %dma_start3A_13 = tpu.memref_slice %arg5[%scan3A_11, %dma_start3A] : memref<79x128xi32, #tpu.memory_space<vmem>> -> memref<1x128xi32, #tpu.memory_space<vmem>>
      %dma_start3A_14 = tpu.memref_squeeze %dma_start3A_13 : memref<1x128xi32, #tpu.memory_space<vmem>> -> memref<128xi32, #tpu.memory_space<vmem>>
      %dma_start3A_15 = arith.constant 0 : i32
      %dma_start3A_16 = arith.constant 0 : i32
      %dma_start3A_17 = tpu.memref_slice %arg9[%dma_start3A_15, %dma_start3A_16] : memref<10240x32xf32, #tpu.memory_space<vmem_shared>> -> memref<10240x32xf32, #tpu.memory_space<vmem_shared>>
      tpu.enqueue_indirect_dma source(%dma_start3A_17 : memref<10240x32xf32, #tpu.memory_space<vmem_shared>>) target(%arg6 : memref<128x32xf32, #tpu.memory_space<vmem>>) offsets(%dma_start3A_14 : memref<128xi32, #tpu.memory_space<vmem>>) semaphore(%arg10 : memref<!tpu.dma_semaphore, #tpu.memory_space<semaphore_mem>>)
      %dma_wait3A = arith.constant 0 : i32
      %dma_wait3A_18 = tpu.memref_slice %arg5[%scan3A_11, %dma_wait3A] : memref<79x128xi32, #tpu.memory_space<vmem>> -> memref<1x128xi32, #tpu.memory_space<vmem>>
      %dma_wait3A_19 = tpu.memref_squeeze %dma_wait3A_18 : memref<1x128xi32, #tpu.memory_space<vmem>> -> memref<128xi32, #tpu.memory_space<vmem>>
      %dma_wait3A_20 = arith.constant 0 : i32
      %dma_wait3A_21 = arith.constant 0 : i32
      %dma_wait3A_22 = tpu.memref_slice %arg9[%dma_wait3A_20, %dma_wait3A_21] : memref<10240x32xf32, #tpu.memory_space<vmem_shared>> -> memref<10240x32xf32, #tpu.memory_space<vmem_shared>>
      tpu.wait_indirect_dma semaphore(%arg10 : memref<!tpu.dma_semaphore, #tpu.memory_space<semaphore_mem>>) src(%dma_wait3A_22 : memref<10240x32xf32, #tpu.memory_space<vmem_shared>>) dst(%arg6 : memref<128x32xf32, #tpu.memory_space<vmem>>)
      %get3A = arith.constant 0 : i32
      %get3A_23 = arith.index_cast %get3A : i32 to index
      %get3A_24 = arith.constant 0 : index
      %get3A_25 = tpu.vector_load %arg6[%get3A_23, %get3A_24] {strides = array<i32>} : memref<128x32xf32, #tpu.memory_space<vmem>>, vector<16xf32>,
      %bitcast3A = vector.bitcast %get3A_25 : vector<16xf32> to vector<32xbf16>
      %get3A_26 = arith.constant 0 : i32
      %get3A_27 = arith.index_cast %get3A_26 : i32 to index
      %get3A_28 = arith.constant 16 : index
      %get3A_29 = tpu.vector_load %arg6[%get3A_27, %get3A_28] {strides = array<i32>} : memref<128x32xf32, #tpu.memory_space<vmem>>, vector<16xf32>,
      %bitcast3A_30 = vector.bitcast %get3A_29 : vector<16xf32> to vector<32xbf16>
      %get3A_31 = arith.constant 32 : i32
      %get3A_32 = arith.index_cast %get3A_31 : i32 to index
      %get3A_33 = arith.constant 0 : index
      %get3A_34 = tpu.vector_load %arg6[%get3A_32, %get3A_33] {strides = array<i32>} : memref<128x32xf32, #tpu.memory_space<vmem>>, vector<16xf32>,
      %bitcast3A_35 = vector.bitcast %get3A_34 : vector<16xf32> to vector<32xbf16>
      %get3A_36 = arith.constant 32 : i32
      %get3A_37 = arith.index_cast %get3A_36 : i32 to index
      %get3A_38 = arith.constant 16 : index
      %get3A_39 = tpu.vector_load %arg6[%get3A_37, %get3A_38] {strides = array<i32>} : memref<128x32xf32, #tpu.memory_space<vmem>>, vector<16xf32>,
      %bitcast3A_40 = vector.bitcast %get3A_39 : vector<16xf32> to vector<32xbf16>
      %get3A_41 = arith.constant 64 : i32
      %get3A_42 = arith.index_cast %get3A_41 : i32 to index
      %get3A_43 = arith.constant 0 : index
      %get3A_44 = tpu.vector_load %arg6[%get3A_42, %get3A_43] {strides = array<i32>} : memref<128x32xf32, #tpu.memory_space<vmem>>, vector<16xf32>,
      %bitcast3A_45 = vector.bitcast %get3A_44 : vector<16xf32> to vector<32xbf16>
      %get3A_46 = arith.constant 64 : i32
      %get3A_47 = arith.index_cast %get3A_46 : i32 to index
      %get3A_48 = arith.constant 16 : index
      %get3A_49 = tpu.vector_load %arg6[%get3A_47, %get3A_48] {strides = array<i32>} : memref<128x32xf32, #tpu.memory_space<vmem>>, vector<16xf32>,
      %bitcast3A_50 = vector.bitcast %get3A_49 : vector<16xf32> to vector<32xbf16>
      %get3A_51 = arith.constant 96 : i32
      %get3A_52 = arith.index_cast %get3A_51 : i32 to index
      %get3A_53 = arith.constant 0 : index
      %get3A_54 = tpu.vector_load %arg6[%get3A_52, %get3A_53] {strides = array<i32>} : memref<128x32xf32, #tpu.memory_space<vmem>>, vector<16xf32>,
      %bitcast3A_55 = vector.bitcast %get3A_54 : vector<16xf32> to vector<32xbf16>
      %get3A_56 = arith.constant 96 : i32
      %get3A_57 = arith.index_cast %get3A_56 : i32 to index
      %get3A_58 = arith.constant 16 : index
      %get3A_59 = tpu.vector_load %arg6[%get3A_57, %get3A_58] {strides = array<i32>} : memref<128x32xf32, #tpu.memory_space<vmem>>, vector<16xf32>,
      %bitcast3A_60 = vector.bitcast %get3A_59 : vector<16xf32> to vector<32xbf16>
      %scan3A_61 = arith.constant 1 : i32
      %scan3A_62 = arith.constant 28 : i32
      %scan3A_63 = arith.addi %scan3A_61, %scan3A_62 : i32
      %scan3A_64 = arith.constant 4 : i32
      %scan3A_65:8 = scf.for %scan3A_304 = %scan3A_61 to %scan3A_63 step %scan3A_64 iter_args(%scan3A_305 = %bitcast3A, %scan3A_306 = %bitcast3A_30, %scan3A_307 = %bitcast3A_35, %scan3A_308 = %bitcast3A_40, %scan3A_309 = %bitcast3A_45, %scan3A_310 = %bitcast3A_50, %scan3A_311 = %bitcast3A_55, %scan3A_312 = %bitcast3A_60) -> (vector<32xbf16>, vector<32xbf16>, vector<32xbf16>, vector<32xbf16>, vector<32xbf16>, vector<32xbf16>, vector<32xbf16>, vector<32xbf16>)  : i32 {
        %add3A_313 = arith.constant 0 : i32
        %add3A_314 = arith.addi %add3A_313, %scan3A_304 : i32
        %get3A_315 = arith.index_cast %add3A_314 : i32 to index
        %get3A_316 = arith.constant 0 : index
        %get3A_317 = tpu.vector_load %arg6[%get3A_315, %get3A_316] {strides = array<i32>} : memref<128x32xf32, #tpu.memory_space<vmem>>, vector<16xf32>,
        %bitcast3A_318 = vector.bitcast %get3A_317 : vector<16xf32> to vector<32xbf16>
        %max3A_319 = arith.maximumf %scan3A_305, %bitcast3A_318 : vector<32xbf16>
        %add3A_320 = arith.constant 0 : i32
        %add3A_321 = arith.addi %add3A_320, %scan3A_304 : i32
        %get3A_322 = arith.index_cast %add3A_321 : i32 to index
        %get3A_323 = arith.constant 16 : index
        %get3A_324 = tpu.vector_load %arg6[%get3A_322, %get3A_323] {strides = array<i32>} : memref<128x32xf32, #tpu.memory_space<vmem>>, vector<16xf32>,
        %bitcast3A_325 = vector.bitcast %get3A_324 : vector<16xf32> to vector<32xbf16>
        %max3A_326 = arith.maximumf %scan3A_306, %bitcast3A_325 : vector<32xbf16>
        %add3A_327 = arith.constant 32 : i32
        %add3A_328 = arith.addi %add3A_327, %scan3A_304 : i32
        %get3A_329 = arith.index_cast %add3A_328 : i32 to index
        %get3A_330 = arith.constant 0 : index
        %get3A_331 = tpu.vector_load %arg6[%get3A_329, %get3A_330] {strides = array<i32>} : memref<128x32xf32, #tpu.memory_space<vmem>>, vector<16xf32>,
        %bitcast3A_332 = vector.bitcast %get3A_331 : vector<16xf32> to vector<32xbf16>
        %max3A_333 = arith.maximumf %scan3A_307, %bitcast3A_332 : vector<32xbf16>
        %add3A_334 = arith.constant 32 : i32
        %add3A_335 = arith.addi %add3A_334, %scan3A_304 : i32
        %get3A_336 = arith.index_cast %add3A_335 : i32 to index
        %get3A_337 = arith.constant 16 : index
        %get3A_338 = tpu.vector_load %arg6[%get3A_336, %get3A_337] {strides = array<i32>} : memref<128x32xf32, #tpu.memory_space<vmem>>, vector<16xf32>,
        %bitcast3A_339 = vector.bitcast %get3A_338 : vector<16xf32> to vector<32xbf16>
        %max3A_340 = arith.maximumf %scan3A_308, %bitcast3A_339 : vector<32xbf16>
        %add3A_341 = arith.constant 64 : i32
        %add3A_342 = arith.addi %add3A_341, %scan3A_304 : i32
        %get3A_343 = arith.index_cast %add3A_342 : i32 to index
        %get3A_344 = arith.constant 0 : index
        %get3A_345 = tpu.vector_load %arg6[%get3A_343, %get3A_344] {strides = array<i32>} : memref<128x32xf32, #tpu.memory_space<vmem>>, vector<16xf32>,
        %bitcast3A_346 = vector.bitcast %get3A_345 : vector<16xf32> to vector<32xbf16>
        %max3A_347 = arith.maximumf %scan3A_309, %bitcast3A_346 : vector<32xbf16>
        %add3A_348 = arith.constant 64 : i32
        %add3A_349 = arith.addi %add3A_348, %scan3A_304 : i32
        %get3A_350 = arith.index_cast %add3A_349 : i32 to index
        %get3A_351 = arith.constant 16 : index
        %get3A_352 = tpu.vector_load %arg6[%get3A_350, %get3A_351] {strides = array<i32>} : memref<128x32xf32, #tpu.memory_space<vmem>>, vector<16xf32>,
        %bitcast3A_353 = vector.bitcast %get3A_352 : vector<16xf32> to vector<32xbf16>
        %max3A_354 = arith.maximumf %scan3A_310, %bitcast3A_353 : vector<32xbf16>
        %add3A_355 = arith.constant 96 : i32
        %add3A_356 = arith.addi %add3A_355, %scan3A_304 : i32
        %get3A_357 = arith.index_cast %add3A_356 : i32 to index
        %get3A_358 = arith.constant 0 : index
        %get3A_359 = tpu.vector_load %arg6[%get3A_357, %get3A_358] {strides = array<i32>} : memref<128x32xf32, #tpu.memory_space<vmem>>, vector<16xf32>,
        %bitcast3A_360 = vector.bitcast %get3A_359 : vector<16xf32> to vector<32xbf16>
        %max3A_361 = arith.maximumf %scan3A_311, %bitcast3A_360 : vector<32xbf16>
        %add3A_362 = arith.constant 96 : i32
        %add3A_363 = arith.addi %add3A_362, %scan3A_304 : i32
        %get3A_364 = arith.index_cast %add3A_363 : i32 to index
        %get3A_365 = arith.constant 16 : index
        %get3A_366 = tpu.vector_load %arg6[%get3A_364, %get3A_365] {strides = array<i32>} : memref<128x32xf32, #tpu.memory_space<vmem>>, vector<16xf32>,
        %bitcast3A_367 = vector.bitcast %get3A_366 : vector<16xf32> to vector<32xbf16>
        %max3A_368 = arith.maximumf %scan3A_312, %bitcast3A_367 : vector<32xbf16>
        %scan3A_369 = arith.constant 1 : i32
        %scan3A_370 = arith.addi %scan3A_304, %scan3A_369 : i32
        %add3A_371 = arith.constant 0 : i32
        %add3A_372 = arith.addi %add3A_371, %scan3A_370 : i32
        %get3A_373 = arith.index_cast %add3A_372 : i32 to index
        %get3A_374 = arith.constant 0 : index
        %get3A_375 = tpu.vector_load %arg6[%get3A_373, %get3A_374] {strides = array<i32>} : memref<128x32xf32, #tpu.memory_space<vmem>>, vector<16xf32>,
        %bitcast3A_376 = vector.bitcast %get3A_375 : vector<16xf32> to vector<32xbf16>
        %max3A_377 = arith.maximumf %max3A_319, %bitcast3A_376 : vector<32xbf16>
        %add3A_378 = arith.constant 0 : i32
        %add3A_379 = arith.addi %add3A_378, %scan3A_370 : i32
        %get3A_380 = arith.index_cast %add3A_379 : i32 to index
        %get3A_381 = arith.constant 16 : index
        %get3A_382 = tpu.vector_load %arg6[%get3A_380, %get3A_381] {strides = array<i32>} : memref<128x32xf32, #tpu.memory_space<vmem>>, vector<16xf32>,
        %bitcast3A_383 = vector.bitcast %get3A_382 : vector<16xf32> to vector<32xbf16>
        %max3A_384 = arith.maximumf %max3A_326, %bitcast3A_383 : vector<32xbf16>
        %add3A_385 = arith.constant 32 : i32
        %add3A_386 = arith.addi %add3A_385, %scan3A_370 : i32
        %get3A_387 = arith.index_cast %add3A_386 : i32 to index
        %get3A_388 = arith.constant 0 : index
        %get3A_389 = tpu.vector_load %arg6[%get3A_387, %get3A_388] {strides = array<i32>} : memref<128x32xf32, #tpu.memory_space<vmem>>, vector<16xf32>,
        %bitcast3A_390 = vector.bitcast %get3A_389 : vector<16xf32> to vector<32xbf16>
        %max3A_391 = arith.maximumf %max3A_333, %bitcast3A_390 : vector<32xbf16>
        %add3A_392 = arith.constant 32 : i32
        %add3A_393 = arith.addi %add3A_392, %scan3A_370 : i32
        %get3A_394 = arith.index_cast %add3A_393 : i32 to index
        %get3A_395 = arith.constant 16 : index
        %get3A_396 = tpu.vector_load %arg6[%get3A_394, %get3A_395] {strides = array<i32>} : memref<128x32xf32, #tpu.memory_space<vmem>>, vector<16xf32>,
        %bitcast3A_397 = vector.bitcast %get3A_396 : vector<16xf32> to vector<32xbf16>
        %max3A_398 = arith.maximumf %max3A_340, %bitcast3A_397 : vector<32xbf16>
        %add3A_399 = arith.constant 64 : i32
        %add3A_400 = arith.addi %add3A_399, %scan3A_370 : i32
        %get3A_401 = arith.index_cast %add3A_400 : i32 to index
        %get3A_402 = arith.constant 0 : index
        %get3A_403 = tpu.vector_load %arg6[%get3A_401, %get3A_402] {strides = array<i32>} : memref<128x32xf32, #tpu.memory_space<vmem>>, vector<16xf32>,
        %bitcast3A_404 = vector.bitcast %get3A_403 : vector<16xf32> to vector<32xbf16>
        %max3A_405 = arith.maximumf %max3A_347, %bitcast3A_404 : vector<32xbf16>
        %add3A_406 = arith.constant 64 : i32
        %add3A_407 = arith.addi %add3A_406, %scan3A_370 : i32
        %get3A_408 = arith.index_cast %add3A_407 : i32 to index
        %get3A_409 = arith.constant 16 : index
        %get3A_410 = tpu.vector_load %arg6[%get3A_408, %get3A_409] {strides = array<i32>} : memref<128x32xf32, #tpu.memory_space<vmem>>, vector<16xf32>,
        %bitcast3A_411 = vector.bitcast %get3A_410 : vector<16xf32> to vector<32xbf16>
        %max3A_412 = arith.maximumf %max3A_354, %bitcast3A_411 : vector<32xbf16>
        %add3A_413 = arith.constant 96 : i32
        %add3A_414 = arith.addi %add3A_413, %scan3A_370 : i32
        %get3A_415 = arith.index_cast %add3A_414 : i32 to index
        %get3A_416 = arith.constant 0 : index
        %get3A_417 = tpu.vector_load %arg6[%get3A_415, %get3A_416] {strides = array<i32>} : memref<128x32xf32, #tpu.memory_space<vmem>>, vector<16xf32>,
        %bitcast3A_418 = vector.bitcast %get3A_417 : vector<16xf32> to vector<32xbf16>
        %max3A_419 = arith.maximumf %max3A_361, %bitcast3A_418 : vector<32xbf16>
        %add3A_420 = arith.constant 96 : i32
        %add3A_421 = arith.addi %add3A_420, %scan3A_370 : i32
        %get3A_422 = arith.index_cast %add3A_421 : i32 to index
        %get3A_423 = arith.constant 16 : index
        %get3A_424 = tpu.vector_load %arg6[%get3A_422, %get3A_423] {strides = array<i32>} : memref<128x32xf32, #tpu.memory_space<vmem>>, vector<16xf32>,
        %bitcast3A_425 = vector.bitcast %get3A_424 : vector<16xf32> to vector<32xbf16>
        %max3A_426 = arith.maximumf %max3A_368, %bitcast3A_425 : vector<32xbf16>
        %scan3A_427 = arith.constant 2 : i32
        %scan3A_428 = arith.addi %scan3A_304, %scan3A_427 : i32
        %add3A_429 = arith.constant 0 : i32
        %add3A_430 = arith.addi %add3A_429, %scan3A_428 : i32
        %get3A_431 = arith.index_cast %add3A_430 : i32 to index
        %get3A_432 = arith.constant 0 : index
        %get3A_433 = tpu.vector_load %arg6[%get3A_431, %get3A_432] {strides = array<i32>} : memref<128x32xf32, #tpu.memory_space<vmem>>, vector<16xf32>,
        %bitcast3A_434 = vector.bitcast %get3A_433 : vector<16xf32> to vector<32xbf16>
        %max3A_435 = arith.maximumf %max3A_377, %bitcast3A_434 : vector<32xbf16>
        %add3A_436 = arith.constant 0 : i32
        %add3A_437 = arith.addi %add3A_436, %scan3A_428 : i32
        %get3A_438 = arith.index_cast %add3A_437 : i32 to index
        %get3A_439 = arith.constant 16 : index
        %get3A_440 = tpu.vector_load %arg6[%get3A_438, %get3A_439] {strides = array<i32>} : memref<128x32xf32, #tpu.memory_space<vmem>>, vector<16xf32>,
        %bitcast3A_441 = vector.bitcast %get3A_440 : vector<16xf32> to vector<32xbf16>
        %max3A_442 = arith.maximumf %max3A_384, %bitcast3A_441 : vector<32xbf16>
        %add3A_443 = arith.constant 32 : i32
        %add3A_444 = arith.addi %add3A_443, %scan3A_428 : i32
        %get3A_445 = arith.index_cast %add3A_444 : i32 to index
        %get3A_446 = arith.constant 0 : index
        %get3A_447 = tpu.vector_load %arg6[%get3A_445, %get3A_446] {strides = array<i32>} : memref<128x32xf32, #tpu.memory_space<vmem>>, vector<16xf32>,
        %bitcast3A_448 = vector.bitcast %get3A_447 : vector<16xf32> to vector<32xbf16>
        %max3A_449 = arith.maximumf %max3A_391, %bitcast3A_448 : vector<32xbf16>
        %add3A_450 = arith.constant 32 : i32
        %add3A_451 = arith.addi %add3A_450, %scan3A_428 : i32
        %get3A_452 = arith.index_cast %add3A_451 : i32 to index
        %get3A_453 = arith.constant 16 : index
        %get3A_454 = tpu.vector_load %arg6[%get3A_452, %get3A_453] {strides = array<i32>} : memref<128x32xf32, #tpu.memory_space<vmem>>, vector<16xf32>,
        %bitcast3A_455 = vector.bitcast %get3A_454 : vector<16xf32> to vector<32xbf16>
        %max3A_456 = arith.maximumf %max3A_398, %bitcast3A_455 : vector<32xbf16>
        %add3A_457 = arith.constant 64 : i32
        %add3A_458 = arith.addi %add3A_457, %scan3A_428 : i32
        %get3A_459 = arith.index_cast %add3A_458 : i32 to index
        %get3A_460 = arith.constant 0 : index
        %get3A_461 = tpu.vector_load %arg6[%get3A_459, %get3A_460] {strides = array<i32>} : memref<128x32xf32, #tpu.memory_space<vmem>>, vector<16xf32>,
        %bitcast3A_462 = vector.bitcast %get3A_461 : vector<16xf32> to vector<32xbf16>
        %max3A_463 = arith.maximumf %max3A_405, %bitcast3A_462 : vector<32xbf16>
        %add3A_464 = arith.constant 64 : i32
        %add3A_465 = arith.addi %add3A_464, %scan3A_428 : i32
        %get3A_466 = arith.index_cast %add3A_465 : i32 to index
        %get3A_467 = arith.constant 16 : index
        %get3A_468 = tpu.vector_load %arg6[%get3A_466, %get3A_467] {strides = array<i32>} : memref<128x32xf32, #tpu.memory_space<vmem>>, vector<16xf32>,
        %bitcast3A_469 = vector.bitcast %get3A_468 : vector<16xf32> to vector<32xbf16>
        %max3A_470 = arith.maximumf %max3A_412, %bitcast3A_469 : vector<32xbf16>
        %add3A_471 = arith.constant 96 : i32
        %add3A_472 = arith.addi %add3A_471, %scan3A_428 : i32
        %get3A_473 = arith.index_cast %add3A_472 : i32 to index
        %get3A_474 = arith.constant 0 : index
        %get3A_475 = tpu.vector_load %arg6[%get3A_473, %get3A_474] {strides = array<i32>} : memref<128x32xf32, #tpu.memory_space<vmem>>, vector<16xf32>,
        %bitcast3A_476 = vector.bitcast %get3A_475 : vector<16xf32> to vector<32xbf16>
        %max3A_477 = arith.maximumf %max3A_419, %bitcast3A_476 : vector<32xbf16>
        %add3A_478 = arith.constant 96 : i32
        %add3A_479 = arith.addi %add3A_478, %scan3A_428 : i32
        %get3A_480 = arith.index_cast %add3A_479 : i32 to index
        %get3A_481 = arith.constant 16 : index
        %get3A_482 = tpu.vector_load %arg6[%get3A_480, %get3A_481] {strides = array<i32>} : memref<128x32xf32, #tpu.memory_space<vmem>>, vector<16xf32>,
        %bitcast3A_483 = vector.bitcast %get3A_482 : vector<16xf32> to vector<32xbf16>
        %max3A_484 = arith.maximumf %max3A_426, %bitcast3A_483 : vector<32xbf16>
        %scan3A_485 = arith.constant 3 : i32
        %scan3A_486 = arith.addi %scan3A_304, %scan3A_485 : i32
        %add3A_487 = arith.constant 0 : i32
        %add3A_488 = arith.addi %add3A_487, %scan3A_486 : i32
        %get3A_489 = arith.index_cast %add3A_488 : i32 to index
        %get3A_490 = arith.constant 0 : index
        %get3A_491 = tpu.vector_load %arg6[%get3A_489, %get3A_490] {strides = array<i32>} : memref<128x32xf32, #tpu.memory_space<vmem>>, vector<16xf32>,
        %bitcast3A_492 = vector.bitcast %get3A_491 : vector<16xf32> to vector<32xbf16>
        %max3A_493 = arith.maximumf %max3A_435, %bitcast3A_492 : vector<32xbf16>
        %add3A_494 = arith.constant 0 : i32
        %add3A_495 = arith.addi %add3A_494, %scan3A_486 : i32
        %get3A_496 = arith.index_cast %add3A_495 : i32 to index
        %get3A_497 = arith.constant 16 : index
        %get3A_498 = tpu.vector_load %arg6[%get3A_496, %get3A_497] {strides = array<i32>} : memref<128x32xf32, #tpu.memory_space<vmem>>, vector<16xf32>,
        %bitcast3A_499 = vector.bitcast %get3A_498 : vector<16xf32> to vector<32xbf16>
        %max3A_500 = arith.maximumf %max3A_442, %bitcast3A_499 : vector<32xbf16>
        %add3A_501 = arith.constant 32 : i32
        %add3A_502 = arith.addi %add3A_501, %scan3A_486 : i32
        %get3A_503 = arith.index_cast %add3A_502 : i32 to index
        %get3A_504 = arith.constant 0 : index
        %get3A_505 = tpu.vector_load %arg6[%get3A_503, %get3A_504] {strides = array<i32>} : memref<128x32xf32, #tpu.memory_space<vmem>>, vector<16xf32>,
        %bitcast3A_506 = vector.bitcast %get3A_505 : vector<16xf32> to vector<32xbf16>
        %max3A_507 = arith.maximumf %max3A_449, %bitcast3A_506 : vector<32xbf16>
        %add3A_508 = arith.constant 32 : i32
        %add3A_509 = arith.addi %add3A_508, %scan3A_486 : i32
        %get3A_510 = arith.index_cast %add3A_509 : i32 to index
        %get3A_511 = arith.constant 16 : index
        %get3A_512 = tpu.vector_load %arg6[%get3A_510, %get3A_511] {strides = array<i32>} : memref<128x32xf32, #tpu.memory_space<vmem>>, vector<16xf32>,
        %bitcast3A_513 = vector.bitcast %get3A_512 : vector<16xf32> to vector<32xbf16>
        %max3A_514 = arith.maximumf %max3A_456, %bitcast3A_513 : vector<32xbf16>
        %add3A_515 = arith.constant 64 : i32
        %add3A_516 = arith.addi %add3A_515, %scan3A_486 : i32
        %get3A_517 = arith.index_cast %add3A_516 : i32 to index
        %get3A_518 = arith.constant 0 : index
        %get3A_519 = tpu.vector_load %arg6[%get3A_517, %get3A_518] {strides = array<i32>} : memref<128x32xf32, #tpu.memory_space<vmem>>, vector<16xf32>,
        %bitcast3A_520 = vector.bitcast %get3A_519 : vector<16xf32> to vector<32xbf16>
        %max3A_521 = arith.maximumf %max3A_463, %bitcast3A_520 : vector<32xbf16>
        %add3A_522 = arith.constant 64 : i32
        %add3A_523 = arith.addi %add3A_522, %scan3A_486 : i32
        %get3A_524 = arith.index_cast %add3A_523 : i32 to index
        %get3A_525 = arith.constant 16 : index
        %get3A_526 = tpu.vector_load %arg6[%get3A_524, %get3A_525] {strides = array<i32>} : memref<128x32xf32, #tpu.memory_space<vmem>>, vector<16xf32>,
        %bitcast3A_527 = vector.bitcast %get3A_526 : vector<16xf32> to vector<32xbf16>
        %max3A_528 = arith.maximumf %max3A_470, %bitcast3A_527 : vector<32xbf16>
        %add3A_529 = arith.constant 96 : i32
        %add3A_530 = arith.addi %add3A_529, %scan3A_486 : i32
        %get3A_531 = arith.index_cast %add3A_530 : i32 to index
        %get3A_532 = arith.constant 0 : index
        %get3A_533 = tpu.vector_load %arg6[%get3A_531, %get3A_532] {strides = array<i32>} : memref<128x32xf32, #tpu.memory_space<vmem>>, vector<16xf32>,
        %bitcast3A_534 = vector.bitcast %get3A_533 : vector<16xf32> to vector<32xbf16>
        %max3A_535 = arith.maximumf %max3A_477, %bitcast3A_534 : vector<32xbf16>
        %add3A_536 = arith.constant 96 : i32
        %add3A_537 = arith.addi %add3A_536, %scan3A_486 : i32
        %get3A_538 = arith.index_cast %add3A_537 : i32 to index
        %get3A_539 = arith.constant 16 : index
        %get3A_540 = tpu.vector_load %arg6[%get3A_538, %get3A_539] {strides = array<i32>} : memref<128x32xf32, #tpu.memory_space<vmem>>, vector<16xf32>,
        %bitcast3A_541 = vector.bitcast %get3A_540 : vector<16xf32> to vector<32xbf16>
        %max3A_542 = arith.maximumf %max3A_484, %bitcast3A_541 : vector<32xbf16>
        scf.yield %max3A_493, %max3A_500, %max3A_507, %max3A_514, %max3A_521, %max3A_528, %max3A_535, %max3A_542 : vector<32xbf16>, vector<32xbf16>, vector<32xbf16>, vector<32xbf16>, vector<32xbf16>, vector<32xbf16>, vector<32xbf16>, vector<32xbf16>
      }
      %scan3A_66 = arith.constant 28 : i32
      %scan3A_67 = arith.addi %scan3A_61, %scan3A_66 : i32
      %add3A_68 = arith.constant 0 : i32
      %add3A_69 = arith.addi %add3A_68, %scan3A_67 : i32
      %get3A_70 = arith.index_cast %add3A_69 : i32 to index
      %get3A_71 = arith.constant 0 : index
      %get3A_72 = tpu.vector_load %arg6[%get3A_70, %get3A_71] {strides = array<i32>} : memref<128x32xf32, #tpu.memory_space<vmem>>, vector<16xf32>,
      %bitcast3A_73 = vector.bitcast %get3A_72 : vector<16xf32> to vector<32xbf16>
      %max3A = arith.maximumf %scan3A_65#0, %bitcast3A_73 : vector<32xbf16>
      %add3A_74 = arith.constant 0 : i32
      %add3A_75 = arith.addi %add3A_74, %scan3A_67 : i32
      %get3A_76 = arith.index_cast %add3A_75 : i32 to index
      %get3A_77 = arith.constant 16 : index
      %get3A_78 = tpu.vector_load %arg6[%get3A_76, %get3A_77] {strides = array<i32>} : memref<128x32xf32, #tpu.memory_space<vmem>>, vector<16xf32>,
      %bitcast3A_79 = vector.bitcast %get3A_78 : vector<16xf32> to vector<32xbf16>
      %max3A_80 = arith.maximumf %scan3A_65#1, %bitcast3A_79 : vector<32xbf16>
      %add3A_81 = arith.constant 32 : i32
      %add3A_82 = arith.addi %add3A_81, %scan3A_67 : i32
      %get3A_83 = arith.index_cast %add3A_82 : i32 to index
      %get3A_84 = arith.constant 0 : index
      %get3A_85 = tpu.vector_load %arg6[%get3A_83, %get3A_84] {strides = array<i32>} : memref<128x32xf32, #tpu.memory_space<vmem>>, vector<16xf32>,
      %bitcast3A_86 = vector.bitcast %get3A_85 : vector<16xf32> to vector<32xbf16>
      %max3A_87 = arith.maximumf %scan3A_65#2, %bitcast3A_86 : vector<32xbf16>
      %add3A_88 = arith.constant 32 : i32
      %add3A_89 = arith.addi %add3A_88, %scan3A_67 : i32
      %get3A_90 = arith.index_cast %add3A_89 : i32 to index
      %get3A_91 = arith.constant 16 : index
      %get3A_92 = tpu.vector_load %arg6[%get3A_90, %get3A_91] {strides = array<i32>} : memref<128x32xf32, #tpu.memory_space<vmem>>, vector<16xf32>,
      %bitcast3A_93 = vector.bitcast %get3A_92 : vector<16xf32> to vector<32xbf16>
      %max3A_94 = arith.maximumf %scan3A_65#3, %bitcast3A_93 : vector<32xbf16>
      %add3A_95 = arith.constant 64 : i32
      %add3A_96 = arith.addi %add3A_95, %scan3A_67 : i32
      %get3A_97 = arith.index_cast %add3A_96 : i32 to index
      %get3A_98 = arith.constant 0 : index
      %get3A_99 = tpu.vector_load %arg6[%get3A_97, %get3A_98] {strides = array<i32>} : memref<128x32xf32, #tpu.memory_space<vmem>>, vector<16xf32>,
      %bitcast3A_100 = vector.bitcast %get3A_99 : vector<16xf32> to vector<32xbf16>
      %max3A_101 = arith.maximumf %scan3A_65#4, %bitcast3A_100 : vector<32xbf16>
      %add3A_102 = arith.constant 64 : i32
      %add3A_103 = arith.addi %add3A_102, %scan3A_67 : i32
      %get3A_104 = arith.index_cast %add3A_103 : i32 to index
      %get3A_105 = arith.constant 16 : index
      %get3A_106 = tpu.vector_load %arg6[%get3A_104, %get3A_105] {strides = array<i32>} : memref<128x32xf32, #tpu.memory_space<vmem>>, vector<16xf32>,
      %bitcast3A_107 = vector.bitcast %get3A_106 : vector<16xf32> to vector<32xbf16>
      %max3A_108 = arith.maximumf %scan3A_65#5, %bitcast3A_107 : vector<32xbf16>
      %add3A_109 = arith.constant 96 : i32
      %add3A_110 = arith.addi %add3A_109, %scan3A_67 : i32
      %get3A_111 = arith.index_cast %add3A_110 : i32 to index
      %get3A_112 = arith.constant 0 : index
      %get3A_113 = tpu.vector_load %arg6[%get3A_111, %get3A_112] {strides = array<i32>} : memref<128x32xf32, #tpu.memory_space<vmem>>, vector<16xf32>,
      %bitcast3A_114 = vector.bitcast %get3A_113 : vector<16xf32> to vector<32xbf16>
      %max3A_115 = arith.maximumf %scan3A_65#6, %bitcast3A_114 : vector<32xbf16>
      %add3A_116 = arith.constant 96 : i32
      %add3A_117 = arith.addi %add3A_116, %scan3A_67 : i32
      %get3A_118 = arith.index_cast %add3A_117 : i32 to index
      %get3A_119 = arith.constant 16 : index
      %get3A_120 = tpu.vector_load %arg6[%get3A_118, %get3A_119] {strides = array<i32>} : memref<128x32xf32, #tpu.memory_space<vmem>>, vector<16xf32>,
      %bitcast3A_121 = vector.bitcast %get3A_120 : vector<16xf32> to vector<32xbf16>
      %max3A_122 = arith.maximumf %scan3A_65#7, %bitcast3A_121 : vector<32xbf16>
      %scan3A_123 = arith.constant 29 : i32
      %scan3A_124 = arith.addi %scan3A_61, %scan3A_123 : i32
      %add3A_125 = arith.constant 0 : i32
      %add3A_126 = arith.addi %add3A_125, %scan3A_124 : i32
      %get3A_127 = arith.index_cast %add3A_126 : i32 to index
      %get3A_128 = arith.constant 0 : index
      %get3A_129 = tpu.vector_load %arg6[%get3A_127, %get3A_128] {strides = array<i32>} : memref<128x32xf32, #tpu.memory_space<vmem>>, vector<16xf32>,
      %bitcast3A_130 = vector.bitcast %get3A_129 : vector<16xf32> to vector<32xbf16>
      %max3A_131 = arith.maximumf %max3A, %bitcast3A_130 : vector<32xbf16>
      %add3A_132 = arith.constant 0 : i32
      %add3A_133 = arith.addi %add3A_132, %scan3A_124 : i32
      %get3A_134 = arith.index_cast %add3A_133 : i32 to index
      %get3A_135 = arith.constant 16 : index
      %get3A_136 = tpu.vector_load %arg6[%get3A_134, %get3A_135] {strides = array<i32>} : memref<128x32xf32, #tpu.memory_space<vmem>>, vector<16xf32>,
      %bitcast3A_137 = vector.bitcast %get3A_136 : vector<16xf32> to vector<32xbf16>
      %max3A_138 = arith.maximumf %max3A_80, %bitcast3A_137 : vector<32xbf16>
      %add3A_139 = arith.constant 32 : i32
      %add3A_140 = arith.addi %add3A_139, %scan3A_124 : i32
      %get3A_141 = arith.index_cast %add3A_140 : i32 to index
      %get3A_142 = arith.constant 0 : index
      %get3A_143 = tpu.vector_load %arg6[%get3A_141, %get3A_142] {strides = array<i32>} : memref<128x32xf32, #tpu.memory_space<vmem>>, vector<16xf32>,
      %bitcast3A_144 = vector.bitcast %get3A_143 : vector<16xf32> to vector<32xbf16>
      %max3A_145 = arith.maximumf %max3A_87, %bitcast3A_144 : vector<32xbf16>
      %add3A_146 = arith.constant 32 : i32
      %add3A_147 = arith.addi %add3A_146, %scan3A_124 : i32
      %get3A_148 = arith.index_cast %add3A_147 : i32 to index
      %get3A_149 = arith.constant 16 : index
      %get3A_150 = tpu.vector_load %arg6[%get3A_148, %get3A_149] {strides = array<i32>} : memref<128x32xf32, #tpu.memory_space<vmem>>, vector<16xf32>,
      %bitcast3A_151 = vector.bitcast %get3A_150 : vector<16xf32> to vector<32xbf16>
      %max3A_152 = arith.maximumf %max3A_94, %bitcast3A_151 : vector<32xbf16>
      %add3A_153 = arith.constant 64 : i32
      %add3A_154 = arith.addi %add3A_153, %scan3A_124 : i32
      %get3A_155 = arith.index_cast %add3A_154 : i32 to index
      %get3A_156 = arith.constant 0 : index
      %get3A_157 = tpu.vector_load %arg6[%get3A_155, %get3A_156] {strides = array<i32>} : memref<128x32xf32, #tpu.memory_space<vmem>>, vector<16xf32>,
      %bitcast3A_158 = vector.bitcast %get3A_157 : vector<16xf32> to vector<32xbf16>
      %max3A_159 = arith.maximumf %max3A_101, %bitcast3A_158 : vector<32xbf16>
      %add3A_160 = arith.constant 64 : i32
      %add3A_161 = arith.addi %add3A_160, %scan3A_124 : i32
      %get3A_162 = arith.index_cast %add3A_161 : i32 to index
      %get3A_163 = arith.constant 16 : index
      %get3A_164 = tpu.vector_load %arg6[%get3A_162, %get3A_163] {strides = array<i32>} : memref<128x32xf32, #tpu.memory_space<vmem>>, vector<16xf32>,
      %bitcast3A_165 = vector.bitcast %get3A_164 : vector<16xf32> to vector<32xbf16>
      %max3A_166 = arith.maximumf %max3A_108, %bitcast3A_165 : vector<32xbf16>
      %add3A_167 = arith.constant 96 : i32
      %add3A_168 = arith.addi %add3A_167, %scan3A_124 : i32
      %get3A_169 = arith.index_cast %add3A_168 : i32 to index
      %get3A_170 = arith.constant 0 : index
      %get3A_171 = tpu.vector_load %arg6[%get3A_169, %get3A_170] {strides = array<i32>} : memref<128x32xf32, #tpu.memory_space<vmem>>, vector<16xf32>,
      %bitcast3A_172 = vector.bitcast %get3A_171 : vector<16xf32> to vector<32xbf16>
      %max3A_173 = arith.maximumf %max3A_115, %bitcast3A_172 : vector<32xbf16>
      %add3A_174 = arith.constant 96 : i32
      %add3A_175 = arith.addi %add3A_174, %scan3A_124 : i32
      %get3A_176 = arith.index_cast %add3A_175 : i32 to index
      %get3A_177 = arith.constant 16 : index
      %get3A_178 = tpu.vector_load %arg6[%get3A_176, %get3A_177] {strides = array<i32>} : memref<128x32xf32, #tpu.memory_space<vmem>>, vector<16xf32>,
      %bitcast3A_179 = vector.bitcast %get3A_178 : vector<16xf32> to vector<32xbf16>
      %max3A_180 = arith.maximumf %max3A_122, %bitcast3A_179 : vector<32xbf16>
      %scan3A_181 = arith.constant 30 : i32
      %scan3A_182 = arith.addi %scan3A_61, %scan3A_181 : i32
      %add3A_183 = arith.constant 0 : i32
      %add3A_184 = arith.addi %add3A_183, %scan3A_182 : i32
      %get3A_185 = arith.index_cast %add3A_184 : i32 to index
      %get3A_186 = arith.constant 0 : index
      %get3A_187 = tpu.vector_load %arg6[%get3A_185, %get3A_186] {strides = array<i32>} : memref<128x32xf32, #tpu.memory_space<vmem>>, vector<16xf32>,
      %bitcast3A_188 = vector.bitcast %get3A_187 : vector<16xf32> to vector<32xbf16>
      %max3A_189 = arith.maximumf %max3A_131, %bitcast3A_188 : vector<32xbf16>
      %add3A_190 = arith.constant 0 : i32
      %add3A_191 = arith.addi %add3A_190, %scan3A_182 : i32
      %get3A_192 = arith.index_cast %add3A_191 : i32 to index
      %get3A_193 = arith.constant 16 : index
      %get3A_194 = tpu.vector_load %arg6[%get3A_192, %get3A_193] {strides = array<i32>} : memref<128x32xf32, #tpu.memory_space<vmem>>, vector<16xf32>,
      %bitcast3A_195 = vector.bitcast %get3A_194 : vector<16xf32> to vector<32xbf16>
      %max3A_196 = arith.maximumf %max3A_138, %bitcast3A_195 : vector<32xbf16>
      %add3A_197 = arith.constant 32 : i32
      %add3A_198 = arith.addi %add3A_197, %scan3A_182 : i32
      %get3A_199 = arith.index_cast %add3A_198 : i32 to index
      %get3A_200 = arith.constant 0 : index
      %get3A_201 = tpu.vector_load %arg6[%get3A_199, %get3A_200] {strides = array<i32>} : memref<128x32xf32, #tpu.memory_space<vmem>>, vector<16xf32>,
      %bitcast3A_202 = vector.bitcast %get3A_201 : vector<16xf32> to vector<32xbf16>
      %max3A_203 = arith.maximumf %max3A_145, %bitcast3A_202 : vector<32xbf16>
      %add3A_204 = arith.constant 32 : i32
      %add3A_205 = arith.addi %add3A_204, %scan3A_182 : i32
      %get3A_206 = arith.index_cast %add3A_205 : i32 to index
      %get3A_207 = arith.constant 16 : index
      %get3A_208 = tpu.vector_load %arg6[%get3A_206, %get3A_207] {strides = array<i32>} : memref<128x32xf32, #tpu.memory_space<vmem>>, vector<16xf32>,
      %bitcast3A_209 = vector.bitcast %get3A_208 : vector<16xf32> to vector<32xbf16>
      %max3A_210 = arith.maximumf %max3A_152, %bitcast3A_209 : vector<32xbf16>
      %add3A_211 = arith.constant 64 : i32
      %add3A_212 = arith.addi %add3A_211, %scan3A_182 : i32
      %get3A_213 = arith.index_cast %add3A_212 : i32 to index
      %get3A_214 = arith.constant 0 : index
      %get3A_215 = tpu.vector_load %arg6[%get3A_213, %get3A_214] {strides = array<i32>} : memref<128x32xf32, #tpu.memory_space<vmem>>, vector<16xf32>,
      %bitcast3A_216 = vector.bitcast %get3A_215 : vector<16xf32> to vector<32xbf16>
      %max3A_217 = arith.maximumf %max3A_159, %bitcast3A_216 : vector<32xbf16>
      %add3A_218 = arith.constant 64 : i32
      %add3A_219 = arith.addi %add3A_218, %scan3A_182 : i32
      %get3A_220 = arith.index_cast %add3A_219 : i32 to index
      %get3A_221 = arith.constant 16 : index
      %get3A_222 = tpu.vector_load %arg6[%get3A_220, %get3A_221] {strides = array<i32>} : memref<128x32xf32, #tpu.memory_space<vmem>>, vector<16xf32>,
      %bitcast3A_223 = vector.bitcast %get3A_222 : vector<16xf32> to vector<32xbf16>
      %max3A_224 = arith.maximumf %max3A_166, %bitcast3A_223 : vector<32xbf16>
      %add3A_225 = arith.constant 96 : i32
      %add3A_226 = arith.addi %add3A_225, %scan3A_182 : i32
      %get3A_227 = arith.index_cast %add3A_226 : i32 to index
      %get3A_228 = arith.constant 0 : index
      %get3A_229 = tpu.vector_load %arg6[%get3A_227, %get3A_228] {strides = array<i32>} : memref<128x32xf32, #tpu.memory_space<vmem>>, vector<16xf32>,
      %bitcast3A_230 = vector.bitcast %get3A_229 : vector<16xf32> to vector<32xbf16>
      %max3A_231 = arith.maximumf %max3A_173, %bitcast3A_230 : vector<32xbf16>
      %add3A_232 = arith.constant 96 : i32
      %add3A_233 = arith.addi %add3A_232, %scan3A_182 : i32
      %get3A_234 = arith.index_cast %add3A_233 : i32 to index
      %get3A_235 = arith.constant 16 : index
      %get3A_236 = tpu.vector_load %arg6[%get3A_234, %get3A_235] {strides = array<i32>} : memref<128x32xf32, #tpu.memory_space<vmem>>, vector<16xf32>,
      %bitcast3A_237 = vector.bitcast %get3A_236 : vector<16xf32> to vector<32xbf16>
      %max3A_238 = arith.maximumf %max3A_180, %bitcast3A_237 : vector<32xbf16>
      %scan3A_239 = arith.constant 31 : i32
      %bitcast3A_240 = vector.bitcast %max3A_189 : vector<32xbf16> to vector<16xf32>
      %mul3A_241 = arith.constant 4 : i32
      %mul3A_242 = arith.muli %scan3A_11, %mul3A_241 : i32
      %add3A_243 = arith.constant 0 : i32
      %add3A_244 = arith.addi %mul3A_242, %add3A_243 : i32
      %swap3A = arith.index_cast %add3A_244 : i32 to index
      %swap3A_245 = arith.constant 0 : index
      %swap3A_246 = tpu.vector_load %arg7[%swap3A, %swap3A_245] {strides = array<i32>} : memref<316x32xf32, #tpu.memory_space<vmem>>, vector<16xf32>,
      tpu.vector_store %arg7[%swap3A, %swap3A_245], %bitcast3A_240 {strides = array<i32>} : memref<316x32xf32, #tpu.memory_space<vmem>>, vector<16xf32>,
      %bitcast3A_247 = vector.bitcast %max3A_196 : vector<32xbf16> to vector<16xf32>
      %mul3A_248 = arith.constant 4 : i32
      %mul3A_249 = arith.muli %scan3A_11, %mul3A_248 : i32
      %add3A_250 = arith.constant 0 : i32
      %add3A_251 = arith.addi %mul3A_249, %add3A_250 : i32
      %swap3A_252 = arith.index_cast %add3A_251 : i32 to index
      %swap3A_253 = arith.constant 16 : index
      %swap3A_254 = tpu.vector_load %arg7[%swap3A_252, %swap3A_253] {strides = array<i32>} : memref<316x32xf32, #tpu.memory_space<vmem>>, vector<16xf32>,
      tpu.vector_store %arg7[%swap3A_252, %swap3A_253], %bitcast3A_247 {strides = array<i32>} : memref<316x32xf32, #tpu.memory_space<vmem>>, vector<16xf32>,
      %bitcast3A_255 = vector.bitcast %max3A_203 : vector<32xbf16> to vector<16xf32>
      %mul3A_256 = arith.constant 4 : i32
      %mul3A_257 = arith.muli %scan3A_11, %mul3A_256 : i32
      %add3A_258 = arith.constant 1 : i32
      %add3A_259 = arith.addi %mul3A_257, %add3A_258 : i32
      %swap3A_260 = arith.index_cast %add3A_259 : i32 to index
      %swap3A_261 = arith.constant 0 : index
      %swap3A_262 = tpu.vector_load %arg7[%swap3A_260, %swap3A_261] {strides = array<i32>} : memref<316x32xf32, #tpu.memory_space<vmem>>, vector<16xf32>,
      tpu.vector_store %arg7[%swap3A_260, %swap3A_261], %bitcast3A_255 {strides = array<i32>} : memref<316x32xf32, #tpu.memory_space<vmem>>, vector<16xf32>,
      %bitcast3A_263 = vector.bitcast %max3A_210 : vector<32xbf16> to vector<16xf32>
      %mul3A_264 = arith.constant 4 : i32
      %mul3A_265 = arith.muli %scan3A_11, %mul3A_264 : i32
      %add3A_266 = arith.constant 1 : i32
      %add3A_267 = arith.addi %mul3A_265, %add3A_266 : i32
      %swap3A_268 = arith.index_cast %add3A_267 : i32 to index
      %swap3A_269 = arith.constant 16 : index
      %swap3A_270 = tpu.vector_load %arg7[%swap3A_268, %swap3A_269] {strides = array<i32>} : memref<316x32xf32, #tpu.memory_space<vmem>>, vector<16xf32>,
      tpu.vector_store %arg7[%swap3A_268, %swap3A_269], %bitcast3A_263 {strides = array<i32>} : memref<316x32xf32, #tpu.memory_space<vmem>>, vector<16xf32>,
      %bitcast3A_271 = vector.bitcast %max3A_217 : vector<32xbf16> to vector<16xf32>
      %mul3A_272 = arith.constant 4 : i32
      %mul3A_273 = arith.muli %scan3A_11, %mul3A_272 : i32
      %add3A_274 = arith.constant 2 : i32
      %add3A_275 = arith.addi %mul3A_273, %add3A_274 : i32
      %swap3A_276 = arith.index_cast %add3A_275 : i32 to index
      %swap3A_277 = arith.constant 0 : index
      %swap3A_278 = tpu.vector_load %arg7[%swap3A_276, %swap3A_277] {strides = array<i32>} : memref<316x32xf32, #tpu.memory_space<vmem>>, vector<16xf32>,
      tpu.vector_store %arg7[%swap3A_276, %swap3A_277], %bitcast3A_271 {strides = array<i32>} : memref<316x32xf32, #tpu.memory_space<vmem>>, vector<16xf32>,
      %bitcast3A_279 = vector.bitcast %max3A_224 : vector<32xbf16> to vector<16xf32>
      %mul3A_280 = arith.constant 4 : i32
      %mul3A_281 = arith.muli %scan3A_11, %mul3A_280 : i32
      %add3A_282 = arith.constant 2 : i32
      %add3A_283 = arith.addi %mul3A_281, %add3A_282 : i32
      %swap3A_284 = arith.index_cast %add3A_283 : i32 to index
      %swap3A_285 = arith.constant 16 : index
      %swap3A_286 = tpu.vector_load %arg7[%swap3A_284, %swap3A_285] {strides = array<i32>} : memref<316x32xf32, #tpu.memory_space<vmem>>, vector<16xf32>,
      tpu.vector_store %arg7[%swap3A_284, %swap3A_285], %bitcast3A_279 {strides = array<i32>} : memref<316x32xf32, #tpu.memory_space<vmem>>, vector<16xf32>,
      %bitcast3A_287 = vector.bitcast %max3A_231 : vector<32xbf16> to vector<16xf32>
      %mul3A_288 = arith.constant 4 : i32
      %mul3A_289 = arith.muli %scan3A_11, %mul3A_288 : i32
      %add3A_290 = arith.constant 3 : i32
      %add3A_291 = arith.addi %mul3A_289, %add3A_290 : i32
      %swap3A_292 = arith.index_cast %add3A_291 : i32 to index
      %swap3A_293 = arith.constant 0 : index
      %swap3A_294 = tpu.vector_load %arg7[%swap3A_292, %swap3A_293] {strides = array<i32>} : memref<316x32xf32, #tpu.memory_space<vmem>>, vector<16xf32>,
      tpu.vector_store %arg7[%swap3A_292, %swap3A_293], %bitcast3A_287 {strides = array<i32>} : memref<316x32xf32, #tpu.memory_space<vmem>>, vector<16xf32>,
      %bitcast3A_295 = vector.bitcast %max3A_238 : vector<32xbf16> to vector<16xf32>
      %mul3A_296 = arith.constant 4 : i32
      %mul3A_297 = arith.muli %scan3A_11, %mul3A_296 : i32
      %add3A_298 = arith.constant 3 : i32
      %add3A_299 = arith.addi %mul3A_297, %add3A_298 : i32
      %swap3A_300 = arith.index_cast %add3A_299 : i32 to index
      %swap3A_301 = arith.constant 16 : index
      %swap3A_302 = tpu.vector_load %arg7[%swap3A_300, %swap3A_301] {strides = array<i32>} : memref<316x32xf32, #tpu.memory_space<vmem>>, vector<16xf32>,
      tpu.vector_store %arg7[%swap3A_300, %swap3A_301], %bitcast3A_295 {strides = array<i32>} : memref<316x32xf32, #tpu.memory_space<vmem>>, vector<16xf32>,
      %scan3A_303 = arith.constant 0 : i32
      scf.yield %scan3A_303 : i32
    }
    %scan3A_10 = arith.constant 79 : i32
    "tpu.region"() ({
      %run_scoped3A = tpu.sem_alloc : memref<!tpu.dma_semaphore, #tpu.memory_space<semaphore_mem>>
      %dma_start3A = arith.constant 0 : i32
      %dma_start3A_11 = arith.constant 0 : i32
      %dma_start3A_12 = tpu.memref_slice %arg4[%add3A, %dma_start3A, %dma_start3A_11] : memref<32x316x32xf32, #tpu.memory_space<hbm>> -> memref<1x316x32xf32, #tpu.memory_space<hbm>>
      %dma_start3A_13 = tpu.memref_squeeze %dma_start3A_12 : memref<1x316x32xf32, #tpu.memory_space<hbm>> -> memref<316x32xf32, #tpu.memory_space<hbm>>
      %dma_start3A_14 = arith.constant 0 : i32
      %dma_start3A_15 = arith.constant 0 : i32
      %dma_start3A_16 = tpu.memref_slice %arg4[%add3A, %dma_start3A_14, %dma_start3A_15] : memref<32x316x32xf32, #tpu.memory_space<hbm>> -> memref<1x316x32xf32, #tpu.memory_space<hbm>>
      %dma_start3A_17 = tpu.memref_squeeze %dma_start3A_16 : memref<1x316x32xf32, #tpu.memory_space<hbm>> -> memref<316x32xf32, #tpu.memory_space<hbm>>
      tpu.enqueue_dma source(%arg7 : memref<316x32xf32, #tpu.memory_space<vmem>>) target(%dma_start3A_17 : memref<316x32xf32, #tpu.memory_space<hbm>>) target_semaphore(%run_scoped3A : memref<!tpu.dma_semaphore, #tpu.memory_space<semaphore_mem>>)
      %dma_wait3A = arith.constant 0 : i32
      %dma_wait3A_18 = arith.constant 0 : i32
      %dma_wait3A_19 = tpu.memref_slice %arg4[%add3A, %dma_wait3A, %dma_wait3A_18] : memref<32x316x32xf32, #tpu.memory_space<hbm>> -> memref<1x316x32xf32, #tpu.memory_space<hbm>>
      %dma_wait3A_20 = tpu.memref_squeeze %dma_wait3A_19 : memref<1x316x32xf32, #tpu.memory_space<hbm>> -> memref<316x32xf32, #tpu.memory_space<hbm>>
      %dma_wait3A_21 = arith.constant 0 : i32
      %dma_wait3A_22 = arith.constant 0 : i32
      %dma_wait3A_23 = tpu.memref_slice %arg4[%add3A, %dma_wait3A_21, %dma_wait3A_22] : memref<32x316x32xf32, #tpu.memory_space<hbm>> -> memref<1x316x32xf32, #tpu.memory_space<hbm>>
      %dma_wait3A_24 = tpu.memref_squeeze %dma_wait3A_23 : memref<1x316x32xf32, #tpu.memory_space<hbm>> -> memref<316x32xf32, #tpu.memory_space<hbm>>
      tpu.wait_dma2 semaphore(%run_scoped3A : memref<!tpu.dma_semaphore, #tpu.memory_space<semaphore_mem>>) src(%arg7 : memref<316x32xf32, #tpu.memory_space<vmem>>) dst(%dma_wait3A_24 : memref<316x32xf32, #tpu.memory_space<hbm>>)
      tpu.yield
    }) : () -> ()
    return
  }
}

module attributes {stable_mosaic.version = 14 : i64} {
  func.func @_dense_body(%arg0: memref<1x128x10000xf32, #tpu.memory_space<vmem>>, %arg1: memref<32x10240xf32, #tpu.memory_space<vmem>>, %arg2: memref<128x64xf32, #tpu.memory_space<vmem>>, %arg3: memref<64x64xf32, #tpu.memory_space<vmem>>, %arg4: memref<1x64xf32, #tpu.memory_space<vmem>>, %arg5: memref<1x64xf32, #tpu.memory_space<vmem>>, %arg6: memref<1x64xf32, #tpu.memory_space<vmem>>, %arg7: memref<1x64xf32, #tpu.memory_space<vmem>>, %arg8: memref<10240x64xbf16, #tpu.memory_space<vmem>>) attributes {dimension_semantics = [], scalar_prefetch = 0 : i64, scratch_operands = 0 : i64, tpu.core_type = #tpu.core_type<tc>} {
    %get3A = arith.constant 0 : index
    %get3A_0 = arith.constant 0 : index
    %get3A_1 = vector.load %arg1[%get3A, %get3A_0] : memref<32x10240xf32, #tpu.memory_space<vmem>>, vector<32x10240xf32>
    %reduce_sum3A = arith.constant dense<0.000000e+00> : vector<10240xf32>
    %reduce_sum3A_2 = vector.multi_reduction <add>, %get3A_1, %reduce_sum3A [0] : vector<32x10240xf32> to vector<10240xf32>
    %broadcast_in_dim3A = vector.shape_cast %reduce_sum3A_2 : vector<10240xf32> to vector<1x10240xf32>
    %slice3A = vector.extract_strided_slice %broadcast_in_dim3A {offsets = [0, 0], sizes = [1, 10000], strides = [1, 1]} : vector<1x10240xf32> to vector<1x10000xf32>
    %get3A_3 = arith.constant 0 : index
    %get3A_4 = arith.constant 0 : index
    %get3A_5 = arith.constant 0 : index
    %get3A_6 = vector.load %arg0[%get3A_3, %get3A_4, %get3A_5] : memref<1x128x10000xf32, #tpu.memory_space<vmem>>, vector<1x128x10000xf32>
    %get3A_7 = vector.shape_cast %get3A_6 : vector<1x128x10000xf32> to vector<128x10000xf32>
    %get3A_8 = arith.constant 0 : index
    %get3A_9 = arith.constant 0 : index
    %get3A_10 = vector.load %arg2[%get3A_8, %get3A_9] : memref<128x64xf32, #tpu.memory_space<vmem>>, vector<128x64xf32>
    %dot_general3A = arith.constant dense<0.000000e+00> : vector<10000x64xf32>
    %dot_general3A_11 = tpu.matmul %get3A_7, %get3A_10, %dot_general3A {dimension_numbers = #tpu.dot_dimension_numbers<[0], [0], [1], [1], [0, 1, 1, 1], [], []>, transpose_lhs_hint = false} : vector<128x10000xf32>, vector<128x64xf32>, vector<10000x64xf32> -> vector<10000x64xf32>
    %dot_general3A_12 = arith.constant dense<0.000000e+00> : vector<1x64xf32>
    %dot_general3A_13 = tpu.matmul %slice3A, %dot_general3A_11, %dot_general3A_12 {dimension_numbers = #tpu.dot_dimension_numbers<[1], [0], [0], [1], [0, 0, 1, 1], [], []>, transpose_lhs_hint = false} : vector<1x10000xf32>, vector<10000x64xf32>, vector<1x64xf32> -> vector<1x64xf32>
    %mul3A = arith.mulf %dot_general3A_11, %dot_general3A_11 : vector<10000x64xf32>
    %dot_general3A_14 = arith.constant dense<0.000000e+00> : vector<1x64xf32>
    %dot_general3A_15 = tpu.matmul %slice3A, %mul3A, %dot_general3A_14 {dimension_numbers = #tpu.dot_dimension_numbers<[1], [0], [0], [1], [0, 0, 1, 1], [], []>, transpose_lhs_hint = false} : vector<1x10000xf32>, vector<10000x64xf32>, vector<1x64xf32> -> vector<1x64xf32>
    %mul3A_16 = arith.constant 3.125000e-06 : f32
    %mul3A_17 = vector.broadcast %mul3A_16 : f32 to vector<1x64xf32>
    %mul3A_18 = arith.mulf %dot_general3A_13, %mul3A_17 : vector<1x64xf32>
    %mul3A_19 = arith.constant 3.125000e-06 : f32
    %mul3A_20 = vector.broadcast %mul3A_19 : f32 to vector<1x64xf32>
    %mul3A_21 = arith.mulf %dot_general3A_15, %mul3A_20 : vector<1x64xf32>
    %mul3A_22 = arith.mulf %mul3A_18, %mul3A_18 : vector<1x64xf32>
    %sub3A = arith.subf %mul3A_21, %mul3A_22 : vector<1x64xf32>
    %get3A_23 = arith.constant 0 : index
    %get3A_24 = arith.constant 0 : index
    %get3A_25 = vector.load %arg4[%get3A_23, %get3A_24] : memref<1x64xf32, #tpu.memory_space<vmem>>, vector<1x64xf32>
    %add3A = arith.constant 9.99999974E-6 : f32
    %add3A_26 = vector.broadcast %add3A : f32 to vector<1x64xf32>
    %add3A_27 = arith.addf %sub3A, %add3A_26 : vector<1x64xf32>
    %rsqrt3A = math.rsqrt %add3A_27 : vector<1x64xf32>
    %mul3A_28 = arith.mulf %get3A_25, %rsqrt3A : vector<1x64xf32>
    %get3A_29 = arith.constant 0 : index
    %get3A_30 = arith.constant 0 : index
    %get3A_31 = vector.load %arg5[%get3A_29, %get3A_30] : memref<1x64xf32, #tpu.memory_space<vmem>>, vector<1x64xf32>
    %mul3A_32 = arith.mulf %mul3A_18, %mul3A_28 : vector<1x64xf32>
    %sub3A_33 = arith.subf %get3A_31, %mul3A_32 : vector<1x64xf32>
    %mul3A_34 = vector.broadcast %mul3A_28 : vector<1x64xf32> to vector<10000x64xf32>
    %mul3A_35 = arith.mulf %mul3A_34, %dot_general3A_11 : vector<10000x64xf32>
    %add3A_36 = vector.broadcast %sub3A_33 : vector<1x64xf32> to vector<10000x64xf32>
    %add3A_37 = arith.addf %mul3A_35, %add3A_36 : vector<10000x64xf32>
    %ge3A = arith.constant 0.000000e+00 : f32
    %ge3A_38 = vector.broadcast %ge3A : f32 to vector<10000x64xf32>
    %ge3A_39 = arith.cmpf oge, %add3A_37, %ge3A_38 : vector<10000x64xf32>
    %mul3A_40 = arith.constant 2.000000e-01 : f32
    %mul3A_41 = vector.broadcast %mul3A_40 : f32 to vector<10000x64xf32>
    %mul3A_42 = arith.mulf %mul3A_41, %add3A_37 : vector<10000x64xf32>
    %select_n3A = arith.select %ge3A_39, %add3A_37, %mul3A_42 : vector<10000x64xi1>, vector<10000x64xf32>
    %get3A_43 = arith.constant 0 : index
    %get3A_44 = arith.constant 0 : index
    %get3A_45 = vector.load %arg3[%get3A_43, %get3A_44] : memref<64x64xf32, #tpu.memory_space<vmem>>, vector<64x64xf32>
    %dot_general3A_46 = arith.constant dense<0.000000e+00> : vector<10000x64xf32>
    %dot_general3A_47 = tpu.matmul %select_n3A, %get3A_45, %dot_general3A_46 {dimension_numbers = #tpu.dot_dimension_numbers<[1], [0], [0], [1], [0, 0, 1, 1], [], []>, transpose_lhs_hint = false} : vector<10000x64xf32>, vector<64x64xf32>, vector<10000x64xf32> -> vector<10000x64xf32>
    %dot_general3A_48 = arith.constant dense<0.000000e+00> : vector<1x64xf32>
    %dot_general3A_49 = tpu.matmul %slice3A, %dot_general3A_47, %dot_general3A_48 {dimension_numbers = #tpu.dot_dimension_numbers<[1], [0], [0], [1], [0, 0, 1, 1], [], []>, transpose_lhs_hint = false} : vector<1x10000xf32>, vector<10000x64xf32>, vector<1x64xf32> -> vector<1x64xf32>
    %mul3A_50 = arith.mulf %dot_general3A_47, %dot_general3A_47 : vector<10000x64xf32>
    %dot_general3A_51 = arith.constant dense<0.000000e+00> : vector<1x64xf32>
    %dot_general3A_52 = tpu.matmul %slice3A, %mul3A_50, %dot_general3A_51 {dimension_numbers = #tpu.dot_dimension_numbers<[1], [0], [0], [1], [0, 0, 1, 1], [], []>, transpose_lhs_hint = false} : vector<1x10000xf32>, vector<10000x64xf32>, vector<1x64xf32> -> vector<1x64xf32>
    %mul3A_53 = arith.constant 3.125000e-06 : f32
    %mul3A_54 = vector.broadcast %mul3A_53 : f32 to vector<1x64xf32>
    %mul3A_55 = arith.mulf %dot_general3A_49, %mul3A_54 : vector<1x64xf32>
    %mul3A_56 = arith.constant 3.125000e-06 : f32
    %mul3A_57 = vector.broadcast %mul3A_56 : f32 to vector<1x64xf32>
    %mul3A_58 = arith.mulf %dot_general3A_52, %mul3A_57 : vector<1x64xf32>
    %mul3A_59 = arith.mulf %mul3A_55, %mul3A_55 : vector<1x64xf32>
    %sub3A_60 = arith.subf %mul3A_58, %mul3A_59 : vector<1x64xf32>
    %get3A_61 = arith.constant 0 : index
    %get3A_62 = arith.constant 0 : index
    %get3A_63 = vector.load %arg6[%get3A_61, %get3A_62] : memref<1x64xf32, #tpu.memory_space<vmem>>, vector<1x64xf32>
    %add3A_64 = arith.constant 9.99999974E-6 : f32
    %add3A_65 = vector.broadcast %add3A_64 : f32 to vector<1x64xf32>
    %add3A_66 = arith.addf %sub3A_60, %add3A_65 : vector<1x64xf32>
    %rsqrt3A_67 = math.rsqrt %add3A_66 : vector<1x64xf32>
    %mul3A_68 = arith.mulf %get3A_63, %rsqrt3A_67 : vector<1x64xf32>
    %get3A_69 = arith.constant 0 : index
    %get3A_70 = arith.constant 0 : index
    %get3A_71 = vector.load %arg7[%get3A_69, %get3A_70] : memref<1x64xf32, #tpu.memory_space<vmem>>, vector<1x64xf32>
    %mul3A_72 = arith.mulf %mul3A_55, %mul3A_68 : vector<1x64xf32>
    %sub3A_73 = arith.subf %get3A_71, %mul3A_72 : vector<1x64xf32>
    %mul3A_74 = vector.broadcast %mul3A_68 : vector<1x64xf32> to vector<10000x64xf32>
    %mul3A_75 = arith.mulf %mul3A_74, %dot_general3A_47 : vector<10000x64xf32>
    %add3A_76 = vector.broadcast %sub3A_73 : vector<1x64xf32> to vector<10000x64xf32>
    %add3A_77 = arith.addf %mul3A_75, %add3A_76 : vector<10000x64xf32>
    %ge3A_78 = arith.constant 0.000000e+00 : f32
    %ge3A_79 = vector.broadcast %ge3A_78 : f32 to vector<10000x64xf32>
    %ge3A_80 = arith.cmpf oge, %add3A_77, %ge3A_79 : vector<10000x64xf32>
    %mul3A_81 = arith.constant 2.000000e-01 : f32
    %mul3A_82 = vector.broadcast %mul3A_81 : f32 to vector<10000x64xf32>
    %mul3A_83 = arith.mulf %mul3A_82, %add3A_77 : vector<10000x64xf32>
    %select_n3A_84 = arith.select %ge3A_80, %add3A_77, %mul3A_83 : vector<10000x64xi1>, vector<10000x64xf32>
    %convert_element_type3A = arith.truncf %select_n3A_84 : vector<10000x64xf32> to vector<10000x64xbf16>
    %swap3A = arith.constant 0 : index
    %swap3A_85 = arith.constant 0 : index
    %swap3A_86 = vector.load %arg8[%swap3A, %swap3A_85] : memref<10240x64xbf16, #tpu.memory_space<vmem>>, vector<10000x64xbf16>
    tpu.vector_store %arg8[%swap3A, %swap3A_85], %convert_element_type3A {strides = array<i32>} : memref<10240x64xbf16, #tpu.memory_space<vmem>>, vector<10000x64xbf16>,
    %broadcast_in_dim3A_87 = arith.constant 0.000000e+00 : bf16
    %broadcast_in_dim3A_88 = vector.broadcast %broadcast_in_dim3A_87 : bf16 to vector<240x64xbf16>
    %swap3A_89 = arith.constant 10000 : index
    %swap3A_90 = arith.constant 0 : index
    %swap3A_91 = vector.load %arg8[%swap3A_89, %swap3A_90] : memref<10240x64xbf16, #tpu.memory_space<vmem>>, vector<240x64xbf16>
    tpu.vector_store %arg8[%swap3A_89, %swap3A_90], %broadcast_in_dim3A_88 {strides = array<i32>} : memref<10240x64xbf16, #tpu.memory_space<vmem>>, vector<240x64xbf16>,
    return
  }
}

</mosaic_0001>

<sc_bundles>
// kernel: kernel.5.cloned.1.call-start
scs
__scs_entry_jumppad:
0x0: {  	(pc) =	sbr.rel $0x88, $3  }
0x1: {  	(tag) =	ssettag $0x0;
	lr =	simm.s32 $0x1  }
0x2: {  	[smem:$0x3F98] =	sst lr;
	_ =	strace $0xD0000000  }
0x3: {  	_ = 	snop  }
0x4: {  	_ = 	snop  }
0x5: {  	_ = 	snop  }
0x6: {  	_ = 	snop  }
0x7: {  	_ = 	snop  }
__scs_overlays_trampoline_lowered:
0x8: {  	[smem:$0x3FA7] =	sst s0  }
0x9: {  	[smem:$0x3FA8] =	sst s1  }
0xa: {  	[smem:$0x3FA9] =	sst s2  }
0xb: {  	[smem:$0x3FAA] =	sst s3  }
0xc: {  	[smem:$0x3FAB] =	sst s4  }
0xd: {  	[smem:$0x3FAC] =	sst s5  }
0xe: {  	[smem:$0x3FAD] =	sst s6  }
0xf: {  	[smem:$0x3FAE] =	sst s7  }
0x10: {  	[smem:$0x3FAF] =	sst s8  }
0x11: {  	[smem:$0x3FB0] =	sst s9;
	s0 =	simm.s32 @!p0 $0x0  }
0x12: {  	s1 =	sld [smem:$0x3F96];
	s0 =	simm.s32 @p0 $0x1  }
0x13: {  	[smem:$0x3FB1] =	sst s0;
	s0 =	simm.s32 @!p1 $0x0  }
0x14: {  	s2 =	sld [smem:$0x3F95];
	s0 =	simm.s32 @p1 $0x1  }
0x15: {  	[smem:$0x3FB2] =	sst s0;
	s0 =	simm.s32 @!p2 $0x0  }
0x16: {  	s3 =	sld [smem:$0x3FDB];
	s0 =	simm.s32 @p2 $0x1  }
0x17: {  	s4 =	simm.s32 $0x1BF5;
	[smem:$0x3FB4] =	sst s0  }
0x18: {  	s0 =	sld [smem:$0x3F97];
	_ =	swait.ge [sflag:s4], $0x0  }
0x19: {  	s7 =	sld [smem:$0x3F98]  }
0x1a: {  	s8 =	sadd.s32 $0xFFFFE003, lr  }
0x1b: {  	s9 =	sadd.s32 $0xFFFFFEF7, lr;
	s5 =	simm.s32 $0xFFFFFFFF;
	p2 =	slt.u32 s8, $0xFFFFF086  }
0x1c: {  	p1 =	slt.u32 s9, $0xF7A;
	s5 =	simm.s32 @!p2 $0x0  }
0x1d: {  	s5 =	simm.s32 @p1 $0x1;
	p0 =	seq.s32 s7, s2  }
0x1e: {  	s7 =	smul.u32 @!p0 $0xF7A, s2;
	p2 =	seq.s32 @!p0 s5, $0x0  }
0x1f: {  	s9 =	smul.u32 $0xF7A, s1;
	s8 =	simm.s32 @!p0 $0x1BF5;
	p2 =	por !p2, p0  }
0x20: {  	[sflag:s8] =	ssyncset.s32 @!p0 $0xFFFFF086;
	s6 =	sadd.s32 @!p0 s3, s7;
	s7 =	simm.s32 @!p0 $0x108  }
0x21: {  	s3 =	sadd.s32 s3, s9;
	s6 =	sadd.s32 @!p0 $0x88, s6;
	s7 =	simm.s32 @p2 $0x1082  }
0x22: {  	[simem:s7], [sflag:s8] =	dma.local @!p0 [hbm:s6], $0xF7A  }
0x23: {  	s9 =	sor.u32 $0xD0000000, s2;
	s6 =	simm.s32 $0x108;
	_ =	swait.ge @!p0 [sflag:s8], $0x0  }
0x24: {  	s3 =	sadd.s32 $0x88, s3;
	s6 =	simm.s32 @!p1 $0x1082;
	[sflag:s4] =	ssyncset.s32 $0xFFFFF086  }
0x25: {  	[simem:s6], [sflag:s4] =	dma.local [hbm:s3], $0xF7A  }
0x26: {  	[smem:$0x3F98] =	sst s1;
	(tag) =	ssettag s2;
	_ =	strace s9  }
0x27: {  	s1 =	sld [smem:$0x3FA8]  }
0x28: {  	s2 =	sld [smem:$0x3FA9]  }
0x29: {  	s4 =	sld [smem:$0x3FAB]  }
0x2a: {  	p0 =	seq.s32 s5, $0x0;
	s5 =	sld [smem:$0x3FAC]  }
0x2b: {  	s6 =	sld [smem:$0x3FAD]  }
0x2c: {  	s7 =	sld [smem:$0x3FAE]  }
0x2d: {  	s3 =	simm.s32 $0x108;
	s8 =	sld [smem:$0x3FAF]  }
0x2e: {  	s3 =	simm.s32 @!p0 $0x1082;
	s9 =	sld [smem:$0x3FB0]  }
0x2f: {  	lr =	sadd.s32 s0, s3;
	s0 =	sld [smem:$0x3FA7]  }
0x30: {  	s3 =	sld [smem:$0x3FAA]  }
0x31: {  	[smem:$0x3FB3] =	sst s10  }
0x32: {  	s10 =	sld [smem:$0x3FB1];
	_ =	sdelay $0x3  }
0x33: {  	p0 =	seq.s32 s10, $0x1;
	s10 =	sld [smem:$0x3FB3];
	_ =	sdelay $0x3  }
0x34: {  	[smem:$0x3FB3] =	sst s10  }
0x35: {  	s10 =	sld [smem:$0x3FB2];
	_ =	sdelay $0x3  }
0x36: {  	p1 =	seq.s32 s10, $0x1;
	s10 =	sld [smem:$0x3FB3];
	_ =	sdelay $0x3  }
0x37: {  	[smem:$0x3FB3] =	sst s10  }
0x38: {  	s10 =	sld [smem:$0x3FB4]  }
0x39: {  	_ = 	snop;
	(pc) =	sbr.ind lr, $3  }
0x3a: {  	_ = 	snop  }
0x3b: {  	_ = 	snop  }
0x3c: {  	p2 =	seq.s32 s10, $0x1;
	s10 =	sld [smem:$0x3FB3]  }
0x3d: {  	_ =	shalt  }
0x3e: {  	_ =	shalt  }
0x3f: {  	_ =	shalt  }
0x40: {  	_ =	shalt  }
0x41: {  	_ =	shalt  }
0x42: {  	_ =	shalt  }
0x43: {  	_ =	shalt  }
0x44: {  	_ =	shalt  }
0x45: {  	_ =	shalt  }
0x46: {  	_ =	shalt  }
0x47: {  	_ =	shalt  }
0x48: {  	_ =	shalt  }
0x49: {  	_ =	shalt  }
0x4a: {  	_ =	shalt  }
0x4b: {  	_ =	shalt  }
0x4c: {  	_ =	shalt  }
0x4d: {  	_ =	shalt  }
0x4e: {  	_ =	shalt  }
0x4f: {  	_ =	shalt  }
0x50: {  	_ =	shalt  }
0x51: {  	_ =	shalt  }
0x52: {  	_ =	shalt  }
0x53: {  	_ =	shalt  }
0x54: {  	_ =	shalt  }
0x55: {  	_ =	shalt  }
0x56: {  	_ =	shalt  }
0x57: {  	_ =	shalt  }
0x58: {  	_ =	shalt  }
0x59: {  	_ =	shalt  }
0x5a: {  	_ =	shalt  }
0x5b: {  	_ =	shalt  }
0x5c: {  	_ =	shalt  }
0x5d: {  	_ =	shalt  }
0x5e: {  	_ =	shalt  }
0x5f: {  	_ =	shalt  }
0x60: {  	_ =	shalt  }
0x61: {  	_ =	shalt  }
0x62: {  	_ =	shalt  }
0x63: {  	_ =	shalt  }
0x64: {  	_ =	shalt  }
0x65: {  	_ =	shalt  }
0x66: {  	_ =	shalt  }
0x67: {  	_ =	shalt  }
0x68: {  	_ =	shalt  }
0x69: {  	_ =	shalt  }
0x6a: {  	_ =	shalt  }
0x6b: {  	_ =	shalt  }
0x6c: {  	_ =	shalt  }
0x6d: {  	_ =	shalt  }
0x6e: {  	_ =	shalt  }
0x6f: {  	_ =	shalt  }
0x70: {  	_ =	shalt  }
0x71: {  	_ =	shalt  }
0x72: {  	_ =	shalt  }
0x73: {  	_ =	shalt  }
0x74: {  	_ =	shalt  }
0x75: {  	_ =	shalt  }
0x76: {  	_ =	shalt  }
0x77: {  	_ =	shalt  }
0x78: {  	_ =	shalt  }
0x79: {  	_ =	shalt  }
0x7a: {  	_ =	shalt  }
0x7b: {  	_ =	shalt  }
0x7c: {  	_ =	shalt  }
0x7d: {  	_ =	shalt  }
0x7e: {  	_ =	shalt  }
0x7f: {  	_ =	shalt  }
0x80: {  	_ =	shalt  }
0x81: {  	_ =	shalt  }
0x82: {  	_ =	shalt  }
0x83: {  	_ =	shalt  }
0x84: {  	_ =	shalt  }
0x85: {  	_ =	shalt  }
0x86: {  	_ =	shalt  }
0x87: {  	_ =	shalt  }
.Lfunc_end0:
.L_simem_size_0:
called_computation_lowered:
.L_overlay_start_0:
0x88: {  	s2 =	sld [smem:$0x3FD9]  }
0x89: {  	s3 =	sld [smem:$0x3FFE];
	_ =	sdelay $0x1  }
0x8a: {  	s1 =	srdreg.scid  }
0x8b: {  	s0 =	sand.u32 $0x1, s1  }
0x8c: {  	s14 =	sshll.u32 s0, $0xA;
	s2 =	sadd.s32 s3, s2  }
0x8d: {  	s2 =	sadd.s32 s2, s14  }
0x8e: {  	[smem:$0x3FBF] =	sst s2  }
0x8f: {  	_ = 	snop  }
0x90: {  	s2 =	sld [smem:$0x3FD0];
	_ =	sdelay $0x2  }
0x91: {  	s15 =	simm.s32 $0xA;
	s4 =	simm.s32 $0x10  }
0x92: {  	[smem:s4], [sflag:s15] =	dma.local [hbm:s2], $0x1  }
0x93: {  	_ =	swait.eq [sflag:s15], $0x1  }
0x94: {  	[sflag:s15] =	ssyncset.done $0x0  }
0x95: {  	[sflag:s15] =	ssyncadd.s32 $0xFFFFFFFF  }
0x96: {  	s16 =	sld [smem:$0x10];
	(tm) =	ssettm $0x1  }
0x97: {  	s17 =	sld [smem:$0x3FFB];
	_ =	sdelay $0x3  }
0x98: {  	_ =	strace s17  }
0x99: {  	s3 =	sld [smem:$0x3FFC];
	_ =	sdelay $0x3  }
0x9a: {  	_ =	strace s3  }
0x9b: {  	s3 =	sld [smem:$0x3FFD];
	_ =	sdelay $0x3  }
0x9c: {  	_ =	strace s3  }
0x9d: {  	_ =	strace $0x8FFFFFFF  }
0x9e: {  	s18 =	sld [smem:$0x3FDB];
	_ =	sdelay $0x1  }
0x9f: {  	s19 =	simm.s32 $_scs_section_size  }
0xa0: {  	s5 =	simm.s32 $_size__tile_overlayer_lowered;
	s6 =	simm.s32 $_tile_overlayer_lowered  }
0xa1: {  	s22 =	simm.s32 $0x1BFF;
	s21 =	sshll.u32 s6, $0x1;
	s3 =	sadd.s32 s19, s18  }
0xa2: {  	s7 =	simm.s32 $0x0;
	s20 =	sshll.u32 s5, $0x1;
	s5 =	sadd.s32 s21, s3  }
0xa3: {  	[timem:s7], [sflag:s22] =	dma.local [hbm:s5], s20  }
0xa4: {  	_ =	swait.ge [sflag:s22], s20  }
0xa5: {  	s4 =	ssub.s32 $0x0, s20;
	[sflag:s22] =	ssyncset.done $0x0  }
0xa6: {  	[sflag:s22] =	ssyncadd.s32 s4;
	_ =	sdelay $0x1  }
0xa7: {  	s23 =	simm.s32 $0x1B8B  }
0xa8: {  	_ =	swait.ge [sflag:s23], $0x1  }
0xa9: {  	[sflag:s23] =	ssyncset.done $0x0  }
0xaa: {  	s25 =	simm.s32 $0x1B8E;
	s24 =	sld [smem:$0x3FFE];
	[sflag:s23] =	ssyncadd.s32 $0xFFFFFFFF  }
0xab: {  	s26 =	simm.s32 $execute0_lowered;
	[smem:$0x3FD2] =	sst s25  }
0xac: {  	s5 =	sshll.u32 s26, $0x1;
	_ =	strace $0x80000046;
	[dreg:$0x1] =	wrdreg $0xFFFFFFFF  }
0xad: {  	s28 =	simm.s32 $_size_execute0_lowered;
	s3 =	sadd.s32 s3, s5;
	[dreg:$0x0] =	wrdreg $0x0  }
0xae: {  	s5 =	sshll.u32 s28, $0x1;
	[dreg:$0x2] =	wrdreg s3  }
0xaf: {  	[dreg:$0x3] =	wrdreg s5  }
0xb0: {  	[dreg:$0x4] =	wrdreg $0xC0  }
0xb1: {  	_ =	task [dreg:s7], $0x5FFFF  }
0xb2: {  	[dreg:$0x1] =	wrdreg $0xFFFFFFFF  }
0xb3: {  	[dreg:$0x0] =	wrdreg $0x60  }
0xb4: {  	[dreg:$0x2] =	wrdreg s24  }
0xb5: {  	[dreg:$0x3] =	wrdreg s16  }
0xb6: {  	[dreg:$0x4] =	wrdreg $0x9  }
0xb7: {  	_ =	task.clear_ibuf [dreg:s7], $0x5FFFF;
	_ =	strace $0x90000046  }
0xb8: {  	s29 =	simm.s32 $0x9;
	_ =	strace $0x80000048  }
0xb9: {  	_ =	swait.ge [sflag:s29], $0x1  }
0xba: {  	[sflag:s29] =	ssyncadd.s32 $0xFFFFFFFF  }
0xbb: {  	_ =	strace $0x90000048  }
0xbc: {  	_ =	sfence  }
0xbd: {  	s30 =	sld [smem:$0x0];
	_ =	sdelay $0x2  }
0xbe: {  	s31 =	sshll.u32 s1, $0xD;
	s1 =	sshrl.u32 s1, $0x2  }
0xbf: {  	s3 =	sand.u32 $0x4000, s31;
	s1 =	sadd.s32 s1, s30  }
0xc0: {  	s0 =	sor.u32 s3, s0;
	s1 =	sshll.u32 s1, $0x11  }
0xc1: {  	s0 =	sor.u32 s1, s0  }
0xc2: {  	s0 =	sadd.s32 $0x8F2B, s0  }
0xc3: {  	[sflag:s0] =	ssyncadd.remote.s32 $0x1  }
0xc4: {  	_ =	sfence.sel $0xFFFF  }
0xc5: {  	[dreg:$0x0] =	wrdreg $0xFFFFFFFF;
	(pc) =	sbr.abs _section_cstart, $3  }
0xc6: {  	[dreg:$0x1] =	wrdreg $0xFFFFFFFF  }
0xc7: {  	_ =	task.clear_ibuf [dreg:s7], $0x2FFFF;
	_ =	strace $0x9FFFFFFF  }
0xc8: {  	(tm) =	ssettm $0x7FFFFFFF  }
0xc9: {  	_ =	shalt  }
tec
execute0_lowered:
.L_overlay_start_1:
0x0: {  	(tag) =	ssettag $0x1  }
0x1: {  	s3 =	rddreg [dreg:$0x0]  }
0x2: {  	s1 =	srdreg.scid;
	s0 =	stileid.u32  }
0x3: {  	s4 =	rddreg [dreg:$0x1];
	s9 =	simm.s32 $0x400;
	s10 =	simm.s32 $0x0  }
0x4: {  	s5 =	sand.u32 $0x1, s1;
	s2 =	sshll.u32 s0, $0x1;
	s1 =	rddreg [dreg:$0x2]  }
0x5: {  	s7 =	sshrl.u32 s0, $0x2;
	s6 =	sor.u32 s5, s2;
	s2 =	simm.s32 $0x0  }
0x6: {  	s7 =	smul.u32 $0x14000, s7;
	s5 =	ssub.s32 $0x2, s5;
	s8 =	sshll.u32 s6, $0x7  }
0x7: {  	[smem:$0x7FF] =	sst s2;
	s6 =	smul.u32 $0x4E2, s6;
	s31 =	sshrl.u32 s5, $0x1  }
0x8: {  	s8 =	sand.u32 $0x380, s8;
	_ =	strace $0x80000047;
	s5 =	ssub.s32 s5, s31  }
0x9: {  	s7 =	sor.u32 s7, s8;
	s3 =	sadd.s32 s6, s3;
	s5 =	smax.u32 s5, $0x1  }
0xa: {  	s6 =	simm.s32 $0x1;
	s8 =	simm.s32 $0x80;
	s7 =	sshrl.u32 s7, $0x3  }
0xb: {  	v0 =	vimm.f32 $0.0e+00;
	v1 =	vimm.f32 $1.000000000e+00;
	s3 =	sadd.s32 $0x1E00, s3;
	s4 =	sadd.s32 s4, s7;
	s7 =	simm.s32 $0x2780  }
.LBB2_1:
0xc: {  	[tilespmem:s2], [sflag:$0x1] =	stream.linear.gather [hbm4b:s3+s2], $0x2710, $0x38;
	[tilespmem:$0x4F80] =	vst v63  }
0xd: {  	_ =	swait.ge [sflag:s6], $0x2710  }
0xe: {  	[sflag:s6] =	ssyncset.done $0x0  }
0xf: {  	s13 =	simm.s32 $0x27C0;
	[sflag:s6] =	ssyncadd.s32 $0xFFFFD8F0  }
0x10: {  	[tilespmem:s13+$0xFFFFFFC0] =	vst v0  }
0x11: {  	[tilespmem:s13+$0x30] =	vst v0  }
0x12: {  	[tilespmem:s13+$0x20] =	vst v0  }
0x13: {  	[tilespmem:s13+$0x10] =	vst v0  }
0x14: {  	[tilespmem:s13+$0x0] =	vst v0  }
0x15: {  	[tilespmem:s13+$0xFFFFFFF0] =	vst v0  }
0x16: {  	s14 =	simm.s32 $0x0;
	s11 =	simm.s32 $0x20;
	[tilespmem:s13+$0xFFFFFFE0] =	vst v0  }
.LBB2_2:
0x17: {  	s14 =	sadd.s32 $0x8, s14;
	[tilespmem:s13+$0xFFFFFFD0] =	vst v0;
	s13 =	sadd.s32 $0x80, s13;
	s12 =	simm.s32 $0xFFFFFFFB  }
0x18: {  	[tilespmem:s13+$0xFFFFFFC0] =	vst v0;
	p0 =	slt.u32 s14, $0x278  }
0x19: {  	[tilespmem:s13+$0x30] =	vst v0  }
.Ltmp0:
0x1a: {  	[tilespmem:s13+$0x20] =	vst v0;
	(pc) =	sbr.rel @p0 .LBB2_2-.Ltmp0, $4  }
0x1b: {  	[tilespmem:s13+$0x10] =	vst v0  }
0x1c: {  	[tilespmem:s13+$0x0] =	vst v0  }
0x1d: {  	[tilespmem:s13+$0xFFFFFFF0] =	vst v0  }
0x1e: {  	[tilespmem:s13+$0xFFFFFFE0] =	vst v0  }
0x1f: {  	[tilespmem:s13+$0xFFFFFFD0] =	vst v0  }
.LBB2_4:
0x20: {  	v2 =	vld [tilespmem:s11+$0xFFFFFFE0];
	_ =	sdelay $0x7  }
0x21: {  	[tilespmem:v2+s7+$0x0] =	vst.idx.add.f32.msk $0xffff, v1  }
0x22: {  	v2 =	vld [tilespmem:s11+$0xFFFFFFF0];
	_ =	sdelay $0x7  }
0x23: {  	[tilespmem:v2+s7+$0x0] =	vst.idx.add.f32.msk $0xffff, v1  }
0x24: {  	v2 =	vld [tilespmem:s11+$0x0];
	_ =	sdelay $0x7  }
0x25: {  	[tilespmem:v2+s7+$0x0] =	vst.idx.add.f32.msk $0xffff, v1  }
0x26: {  	v2 =	vld [tilespmem:s11+$0x10];
	_ =	sdelay $0x7  }
0x27: {  	[tilespmem:v2+s7+$0x0] =	vst.idx.add.f32.msk $0xffff, v1  }
0x28: {  	v2 =	vld [tilespmem:s11+$0x20];
	_ =	sdelay $0x1  }
0x29: {  	s12 =	sadd.s32 $0x5, s12  }
0x2a: {  	p0 =	slt.u32 s12, $0x26C  }
.Ltmp1:
0x2b: {  	_ = 	snop;
	(pc) =	sbr.rel @p0 .LBB2_4-.Ltmp1, $2  }
0x2c: {  	_ =	sdelay $0x2  }
0x2d: {  	s11 =	sadd.s32 $0x50, s11;
	[tilespmem:v2+s7+$0x0] =	vst.idx.add.f32.msk $0xffff, v1  }
0x2e: {  	s10 =	sadd.s32 $0x1, s10  }
0x2f: {  	p0 =	sne.s32 s10, s5  }
.Ltmp2:
0x30: {  	_ = 	snop;
	(pc) =	sbr.rel @p0 .LBB2_1-.Ltmp2, $4  }
0x31: {  	[hbm4b:s4+s8] =	stream.strided.scatter [tilespmem:s7], [sflag:$0x1], $0x2800, s9, s8, $0x38;
	[tilespmem:$0x4F80] =	vst v63  }
0x32: {  	_ =	swait.ge [sflag:s6], $0x2800  }
0x33: {  	[sflag:s6] =	ssyncset.done $0x0  }
0x34: {  	[sflag:s6] =	ssyncadd.s32 $0xFFFFD800  }
0x35: {  	_ =	sfence.sel $0x180000  }
0x36: {  	[bflag:$0x0] =	sbarrier.arrive $0xFFFF  }
0x37: {  	p0 =	sne.s32 s0, $0x0;
	_ =	strace $0x90000047  }
0x38: {  	s0 =	sadd.s32 @!p0 $0x100000, s1;
	[bflag:$0x2] =	sbarrier.arrive $0xFFFF  }
0x39: {  	[sflag:s0] =	ssyncadd.tile.s32 @!p0 $0x1;
	_ =	shalt  }
.Lfunc_end2:
_tile_overlayer_lowered:
.L_overlay_start_2:
0x3a: {  	(tag) =	ssettag $0x2  }
0x3b: {  	s0 =	rddreg [dreg:$0x0];
	s2 =	stileid.u32  }
0x3c: {  	s1 =	rddreg [dreg:$0x1];
	p0 =	sne.s32 s2, $0x0  }
0x3d: {  	s3 =	rddreg [dreg:$0x2];
	[bflag:$0x3] =	sbarrier.arrive $0xFFFF;
	s2 =	simm.s32 @!p0 $0x1C01  }
0x3e: {  	[timem:s3], [sflag:s2] =	dma.local @!p0 [hbm:s0], s1  }
0x3f: {  	s0 =	simm.s32 @!p0 $0x1  }
0x40: {  	_ =	swait.ge @!p0 [sflag:s0], s1  }
0x41: {  	s1 =	ssub.s32 @!p0 $0x0, s1;
	[sflag:s0] =	ssyncset.done @!p0 $0x0  }
0x42: {  	[sflag:s0] =	ssyncadd.s32 @!p0 s1  }
0x43: {  	[bflag:$0x3] =	sbarrier.arrive $0xFFFF  }
0x44: {  	_ =	shalt  }

// kernel: kernel.8.cloned.1.call-start
scs
__scs_entry_jumppad:
0x0: {  	(pc) =	sbr.rel $0x88, $3  }
0x1: {  	(tag) =	ssettag $0x0;
	lr =	simm.s32 $0x1  }
0x2: {  	[smem:$0x3F98] =	sst lr;
	_ =	strace $0xD0000000  }
0x3: {  	_ = 	snop  }
0x4: {  	_ = 	snop  }
0x5: {  	_ = 	snop  }
0x6: {  	_ = 	snop  }
0x7: {  	_ = 	snop  }
__scs_overlays_trampoline_lowered:
0x8: {  	[smem:$0x3FA7] =	sst s0  }
0x9: {  	[smem:$0x3FA8] =	sst s1  }
0xa: {  	[smem:$0x3FA9] =	sst s2  }
0xb: {  	[smem:$0x3FAA] =	sst s3  }
0xc: {  	[smem:$0x3FAB] =	sst s4  }
0xd: {  	[smem:$0x3FAC] =	sst s5  }
0xe: {  	[smem:$0x3FAD] =	sst s6  }
0xf: {  	[smem:$0x3FAE] =	sst s7  }
0x10: {  	[smem:$0x3FAF] =	sst s8  }
0x11: {  	[smem:$0x3FB0] =	sst s9;
	s0 =	simm.s32 @!p0 $0x0  }
0x12: {  	s1 =	sld [smem:$0x3F96];
	s0 =	simm.s32 @p0 $0x1  }
0x13: {  	[smem:$0x3FB1] =	sst s0;
	s0 =	simm.s32 @!p1 $0x0  }
0x14: {  	s2 =	sld [smem:$0x3F95];
	s0 =	simm.s32 @p1 $0x1  }
0x15: {  	[smem:$0x3FB2] =	sst s0;
	s0 =	simm.s32 @!p2 $0x0  }
0x16: {  	s3 =	sld [smem:$0x3FDB];
	s0 =	simm.s32 @p2 $0x1  }
0x17: {  	s4 =	simm.s32 $0x1BF5;
	[smem:$0x3FB4] =	sst s0  }
0x18: {  	s0 =	sld [smem:$0x3F97];
	_ =	swait.ge [sflag:s4], $0x0  }
0x19: {  	s7 =	sld [smem:$0x3F98]  }
0x1a: {  	s8 =	sadd.s32 $0xFFFFE003, lr  }
0x1b: {  	s9 =	sadd.s32 $0xFFFFFEF7, lr;
	s5 =	simm.s32 $0xFFFFFFFF;
	p2 =	slt.u32 s8, $0xFFFFF086  }
0x1c: {  	p1 =	slt.u32 s9, $0xF7A;
	s5 =	simm.s32 @!p2 $0x0  }
0x1d: {  	s5 =	simm.s32 @p1 $0x1;
	p0 =	seq.s32 s7, s2  }
0x1e: {  	s7 =	smul.u32 @!p0 $0xF7A, s2;
	p2 =	seq.s32 @!p0 s5, $0x0  }
0x1f: {  	s9 =	smul.u32 $0xF7A, s1;
	s8 =	simm.s32 @!p0 $0x1BF5;
	p2 =	por !p2, p0  }
0x20: {  	[sflag:s8] =	ssyncset.s32 @!p0 $0xFFFFF086;
	s6 =	sadd.s32 @!p0 s3, s7;
	s7 =	simm.s32 @!p0 $0x108  }
0x21: {  	s3 =	sadd.s32 s3, s9;
	s6 =	sadd.s32 @!p0 $0x88, s6;
	s7 =	simm.s32 @p2 $0x1082  }
0x22: {  	[simem:s7], [sflag:s8] =	dma.local @!p0 [hbm:s6], $0xF7A  }
0x23: {  	s9 =	sor.u32 $0xD0000000, s2;
	s6 =	simm.s32 $0x108;
	_ =	swait.ge @!p0 [sflag:s8], $0x0  }
0x24: {  	s3 =	sadd.s32 $0x88, s3;
	s6 =	simm.s32 @!p1 $0x1082;
	[sflag:s4] =	ssyncset.s32 $0xFFFFF086  }
0x25: {  	[simem:s6], [sflag:s4] =	dma.local [hbm:s3], $0xF7A  }
0x26: {  	[smem:$0x3F98] =	sst s1;
	(tag) =	ssettag s2;
	_ =	strace s9  }
0x27: {  	s1 =	sld [smem:$0x3FA8]  }
0x28: {  	s2 =	sld [smem:$0x3FA9]  }
0x29: {  	s4 =	sld [smem:$0x3FAB]  }
0x2a: {  	p0 =	seq.s32 s5, $0x0;
	s5 =	sld [smem:$0x3FAC]  }
0x2b: {  	s6 =	sld [smem:$0x3FAD]  }
0x2c: {  	s7 =	sld [smem:$0x3FAE]  }
0x2d: {  	s3 =	simm.s32 $0x108;
	s8 =	sld [smem:$0x3FAF]  }
0x2e: {  	s3 =	simm.s32 @!p0 $0x1082;
	s9 =	sld [smem:$0x3FB0]  }
0x2f: {  	lr =	sadd.s32 s0, s3;
	s0 =	sld [smem:$0x3FA7]  }
0x30: {  	s3 =	sld [smem:$0x3FAA]  }
0x31: {  	[smem:$0x3FB3] =	sst s10  }
0x32: {  	s10 =	sld [smem:$0x3FB1];
	_ =	sdelay $0x3  }
0x33: {  	p0 =	seq.s32 s10, $0x1;
	s10 =	sld [smem:$0x3FB3];
	_ =	sdelay $0x3  }
0x34: {  	[smem:$0x3FB3] =	sst s10  }
0x35: {  	s10 =	sld [smem:$0x3FB2];
	_ =	sdelay $0x3  }
0x36: {  	p1 =	seq.s32 s10, $0x1;
	s10 =	sld [smem:$0x3FB3];
	_ =	sdelay $0x3  }
0x37: {  	[smem:$0x3FB3] =	sst s10  }
0x38: {  	s10 =	sld [smem:$0x3FB4]  }
0x39: {  	_ = 	snop;
	(pc) =	sbr.ind lr, $3  }
0x3a: {  	_ = 	snop  }
0x3b: {  	_ = 	snop  }
0x3c: {  	p2 =	seq.s32 s10, $0x1;
	s10 =	sld [smem:$0x3FB3]  }
0x3d: {  	_ =	shalt  }
0x3e: {  	_ =	shalt  }
0x3f: {  	_ =	shalt  }
0x40: {  	_ =	shalt  }
0x41: {  	_ =	shalt  }
0x42: {  	_ =	shalt  }
0x43: {  	_ =	shalt  }
0x44: {  	_ =	shalt  }
0x45: {  	_ =	shalt  }
0x46: {  	_ =	shalt  }
0x47: {  	_ =	shalt  }
0x48: {  	_ =	shalt  }
0x49: {  	_ =	shalt  }
0x4a: {  	_ =	shalt  }
0x4b: {  	_ =	shalt  }
0x4c: {  	_ =	shalt  }
0x4d: {  	_ =	shalt  }
0x4e: {  	_ =	shalt  }
0x4f: {  	_ =	shalt  }
0x50: {  	_ =	shalt  }
0x51: {  	_ =	shalt  }
0x52: {  	_ =	shalt  }
0x53: {  	_ =	shalt  }
0x54: {  	_ =	shalt  }
0x55: {  	_ =	shalt  }
0x56: {  	_ =	shalt  }
0x57: {  	_ =	shalt  }
0x58: {  	_ =	shalt  }
0x59: {  	_ =	shalt  }
0x5a: {  	_ =	shalt  }
0x5b: {  	_ =	shalt  }
0x5c: {  	_ =	shalt  }
0x5d: {  	_ =	shalt  }
0x5e: {  	_ =	shalt  }
0x5f: {  	_ =	shalt  }
0x60: {  	_ =	shalt  }
0x61: {  	_ =	shalt  }
0x62: {  	_ =	shalt  }
0x63: {  	_ =	shalt  }
0x64: {  	_ =	shalt  }
0x65: {  	_ =	shalt  }
0x66: {  	_ =	shalt  }
0x67: {  	_ =	shalt  }
0x68: {  	_ =	shalt  }
0x69: {  	_ =	shalt  }
0x6a: {  	_ =	shalt  }
0x6b: {  	_ =	shalt  }
0x6c: {  	_ =	shalt  }
0x6d: {  	_ =	shalt  }
0x6e: {  	_ =	shalt  }
0x6f: {  	_ =	shalt  }
0x70: {  	_ =	shalt  }
0x71: {  	_ =	shalt  }
0x72: {  	_ =	shalt  }
0x73: {  	_ =	shalt  }
0x74: {  	_ =	shalt  }
0x75: {  	_ =	shalt  }
0x76: {  	_ =	shalt  }
0x77: {  	_ =	shalt  }
0x78: {  	_ =	shalt  }
0x79: {  	_ =	shalt  }
0x7a: {  	_ =	shalt  }
0x7b: {  	_ =	shalt  }
0x7c: {  	_ =	shalt  }
0x7d: {  	_ =	shalt  }
0x7e: {  	_ =	shalt  }
0x7f: {  	_ =	shalt  }
0x80: {  	_ =	shalt  }
0x81: {  	_ =	shalt  }
0x82: {  	_ =	shalt  }
0x83: {  	_ =	shalt  }
0x84: {  	_ =	shalt  }
0x85: {  	_ =	shalt  }
0x86: {  	_ =	shalt  }
0x87: {  	_ =	shalt  }
.Lfunc_end0:
.L_simem_size_0:
called_computation.1_lowered:
.L_overlay_start_0:
0x88: {  	s2 =	sld [smem:$0x3FD9]  }
0x89: {  	s3 =	sld [smem:$0x3FFE];
	_ =	sdelay $0x1  }
0x8a: {  	s1 =	srdreg.scid  }
0x8b: {  	s0 =	sand.u32 $0x1, s1  }
0x8c: {  	s14 =	sshll.u32 s0, $0xA;
	s2 =	sadd.s32 s3, s2  }
0x8d: {  	s2 =	sadd.s32 s2, s14  }
0x8e: {  	[smem:$0x3FBF] =	sst s2  }
0x8f: {  	_ = 	snop  }
0x90: {  	s2 =	sld [smem:$0x3FD0];
	_ =	sdelay $0x2  }
0x91: {  	s15 =	simm.s32 $0xA;
	s4 =	simm.s32 $0x10  }
0x92: {  	[smem:s4], [sflag:s15] =	dma.local [hbm:s2], $0x1  }
0x93: {  	_ =	swait.eq [sflag:s15], $0x1  }
0x94: {  	[sflag:s15] =	ssyncset.done $0x0  }
0x95: {  	s16 =	sld [smem:$0x10];
	[sflag:s15] =	ssyncadd.s32 $0xFFFFFFFF  }
0x96: {  	s17 =	sld [smem:$0x11];
	(tm) =	ssettm $0x1  }
0x97: {  	s18 =	sld [smem:$0x3FFB];
	_ =	sdelay $0x3  }
0x98: {  	_ =	strace s18  }
0x99: {  	s4 =	sld [smem:$0x3FFC];
	_ =	sdelay $0x3  }
0x9a: {  	_ =	strace s4  }
0x9b: {  	s4 =	sld [smem:$0x3FFD];
	_ =	sdelay $0x3  }
0x9c: {  	_ =	strace s4  }
0x9d: {  	_ =	strace $0x8FFFFFFF  }
0x9e: {  	s19 =	sld [smem:$0x3FDB];
	_ =	sdelay $0x1  }
0x9f: {  	s5 =	simm.s32 $_scs_section_size  }
0xa0: {  	s6 =	simm.s32 $_size__tile_overlayer_lowered;
	s7 =	simm.s32 $_tile_overlayer_lowered  }
0xa1: {  	s22 =	simm.s32 $0x1BFF;
	s21 =	sshll.u32 s7, $0x1;
	s4 =	sadd.s32 s5, s19  }
0xa2: {  	s8 =	simm.s32 $0x0;
	s20 =	sshll.u32 s6, $0x1;
	s6 =	sadd.s32 s21, s4  }
0xa3: {  	[timem:s8], [sflag:s22] =	dma.local [hbm:s6], s20  }
0xa4: {  	_ =	swait.ge [sflag:s22], s20  }
0xa5: {  	s5 =	ssub.s32 $0x0, s20;
	[sflag:s22] =	ssyncset.done $0x0  }
0xa6: {  	[sflag:s22] =	ssyncadd.s32 s5;
	_ =	sdelay $0x1  }
0xa7: {  	s23 =	simm.s32 $0x1B8B  }
0xa8: {  	_ =	swait.ge [sflag:s23], $0x1  }
0xa9: {  	[sflag:s23] =	ssyncset.done $0x0  }
0xaa: {  	s25 =	simm.s32 $0x1B8E;
	s24 =	sld [smem:$0x3FFE];
	[sflag:s23] =	ssyncadd.s32 $0xFFFFFFFF  }
0xab: {  	s26 =	simm.s32 $execute0_lowered;
	[smem:$0x3FD2] =	sst s25  }
0xac: {  	s6 =	sshll.u32 s26, $0x1;
	_ =	strace $0x80000049;
	[dreg:$0x1] =	wrdreg $0xFFFFFFFF  }
0xad: {  	s28 =	simm.s32 $_size_execute0_lowered;
	s4 =	sadd.s32 s4, s6;
	[dreg:$0x0] =	wrdreg $0x0  }
0xae: {  	s6 =	sshll.u32 s28, $0x1;
	[dreg:$0x2] =	wrdreg s4  }
0xaf: {  	[dreg:$0x3] =	wrdreg s6  }
0xb0: {  	[dreg:$0x4] =	wrdreg $0xC0  }
0xb1: {  	_ =	task [dreg:s8], $0x5FFFF  }
0xb2: {  	[dreg:$0x1] =	wrdreg $0xFFFFFFFF  }
0xb3: {  	[dreg:$0x0] =	wrdreg $0x60  }
0xb4: {  	[dreg:$0x2] =	wrdreg s16  }
0xb5: {  	[dreg:$0x3] =	wrdreg s17  }
0xb6: {  	[dreg:$0x4] =	wrdreg s24  }
0xb7: {  	[dreg:$0x5] =	wrdreg $0xAF000  }
0xb8: {  	[dreg:$0x6] =	wrdreg $0x9  }
0xb9: {  	_ =	task.clear_ibuf [dreg:s8], $0x7FFFF;
	_ =	strace $0x90000049  }
0xba: {  	s29 =	simm.s32 $0x9;
	_ =	strace $0x8000004B  }
0xbb: {  	_ =	swait.ge [sflag:s29], $0x1  }
0xbc: {  	[sflag:s29] =	ssyncadd.s32 $0xFFFFFFFF  }
0xbd: {  	_ =	strace $0x9000004B  }
0xbe: {  	_ =	sfence  }
0xbf: {  	s30 =	sld [smem:$0x0];
	_ =	sdelay $0x2  }
0xc0: {  	s31 =	sshll.u32 s1, $0xD;
	s1 =	sshrl.u32 s1, $0x2  }
0xc1: {  	s3 =	sand.u32 $0x4000, s31;
	s1 =	sadd.s32 s1, s30  }
0xc2: {  	s0 =	sor.u32 s3, s0;
	s1 =	sshll.u32 s1, $0x11  }
0xc3: {  	s0 =	sor.u32 s1, s0  }
0xc4: {  	s0 =	sadd.s32 $0x8F2B, s0  }
0xc5: {  	[sflag:s0] =	ssyncadd.remote.s32 $0x1  }
0xc6: {  	_ =	sfence.sel $0xFFFF  }
0xc7: {  	[dreg:$0x0] =	wrdreg $0xFFFFFFFF;
	(pc) =	sbr.abs _section_cstart, $3  }
0xc8: {  	[dreg:$0x1] =	wrdreg $0xFFFFFFFF  }
0xc9: {  	_ =	task.clear_ibuf [dreg:s8], $0x2FFFF;
	_ =	strace $0x9FFFFFFF  }
0xca: {  	(tm) =	ssettm $0x7FFFFFFF  }
0xcb: {  	_ =	shalt  }
tec
execute0_lowered:
.L_overlay_start_1:
0x0: {  	(tag) =	ssettag $0x1  }
0x1: {  	s4 =	rddreg [dreg:$0x0]  }
0x2: {  	s6 =	rddreg [dreg:$0x1];
	s1 =	srdreg.scid  }
0x3: {  	s0 =	stileid.u32;
	s5 =	rddreg [dreg:$0x2]  }
0x4: {  	s2 =	rddreg [dreg:$0x3];
	s3 =	simm.s32 $0x0;
	s12 =	simm.s32 $0x2780  }
0x5: {  	s13 =	simm.s32 $0x1;
	s14 =	simm.s32 $0x3780;
	s15 =	simm.s32 $0x0  }
0x6: {  	s7 =	sand.u32 $0x1, s1;
	s30 =	sshll.u32 s0, $0x1;
	s1 =	rddreg [dreg:$0x4]  }
0x7: {  	s9 =	smul.u32 $0x5000, s0;
	s8 =	sor.u32 s7, s30;
	s7 =	ssub.s32 $0x2, s7  }
0x8: {  	[smem:$0x7FF] =	sst s3;
	s8 =	smul.u32 $0x4F0, s8;
	s10 =	sshrl.u32 s7, $0x1  }
0x9: {  	_ =	strace $0x8000004A;
	s31 =	sshrl.u32 s9, $0x3;
	s10 =	ssub.s32 s7, s10  }
0xa: {  	s4 =	sadd.s32 s4, s31;
	s11 =	sadd.s32 s8, s5;
	s5 =	sadd.s32 s9, s2  }
0xb: {  	s6 =	sadd.s32 s6, s8;
	s8 =	smax.u32 s10, $0x1;
	s9 =	simm.s32 $0x5F00  }
0xc: {  	s10 =	simm.s32 $0x2;
	s7 =	sadd.s32 $0x1E00, s11;
	s11 =	simm.s32 $0x80  }
.LBB2_1:
0xd: {  	[tilespmem:s9], [sflag:$0x2] =	stream.linear.gather [hbm4b:s4+s3], $0x5000, $0x38;
	[tilespmem:$0xFF00] =	vst v63  }
0xe: {  	_ =	swait.ge [sflag:s10], $0x5000  }
0xf: {  	[sflag:s10] =	ssyncset.done $0x0  }
0x10: {  	[sflag:s10] =	ssyncadd.s32 $0xFFFFB000  }
0x11: {  	[spmem:s5] =	stream.linear.scatter [tilespmem:s9], [sflag:$0x2], $0x5000, $0x38;
	[tilespmem:$0xFF00] =	vst v63  }
0x12: {  	_ =	swait.ge [sflag:s10], $0x5000  }
0x13: {  	[sflag:s10] =	ssyncset.done $0x0  }
0x14: {  	[sflag:s10] =	ssyncadd.s32 $0xFFFFB000  }
0x15: {  	[tilespmem:s3], [sflag:$0x2] =	stream.linear.gather [hbm4b:s6+s3], $0x2780, $0x38;
	[tilespmem:$0xFF00] =	vst v63  }
0x16: {  	_ =	swait.ge [sflag:s10], $0x2780  }
0x17: {  	[sflag:s10] =	ssyncset.done $0x0  }
0x18: {  	[sflag:s10] =	ssyncadd.s32 $0xFFFFD880  }
0x19: {  	s16 =	simm.s32 $0x0;
	[bflag:$0x0] =	sbarrier.arrive $0xFFFF  }
.LBB2_2:
0x1a: {  	s17 =	sshll.u32 s16, $0x9  }
0x1b: {  	s17 =	sshrl.u32 s17, $0x2  }
0x1c: {  	[tilespmem:s12], [sflag:$0x1] =	stream.indirect.gather [spmem:s2], $0x20, s17, s11, $0xb8;
	[tilespmem:$0xFF00] =	vst v63  }
0x1d: {  	_ =	swait.ge [sflag:s13], $0x1000  }
0x1e: {  	[sflag:s13] =	ssyncset.done $0x0  }
0x1f: {  	[sflag:s13] =	ssyncadd.s32 $0xFFFFF000  }
0x20: {  	v10 =	vld [tilespmem:$0x2780]  }
0x21: {  	v11 =	vld [tilespmem:$0x2790]  }
0x22: {  	v17 =	vld [tilespmem:$0x2B80]  }
0x23: {  	v18 =	vld [tilespmem:$0x2B90]  }
0x24: {  	v19 =	vld [tilespmem:$0x2F80]  }
0x25: {  	v2 =	vld [tilespmem:$0x2F90]  }
0x26: {  	v3 =	vld [tilespmem:$0x3380]  }
0x27: {  	s19 =	simm.s32 $0x2FA0;
	v4 =	vld [tilespmem:$0x3390]  }
0x28: {  	v20 =	vld [tilespmem:s19+$0xFFFFF860]  }
0x29: {  	v21 =	vld [tilespmem:s19+$0xFFFFF870]  }
0x2a: {  	v5 =	vld [tilespmem:s19+$0xFFFFFC60]  }
0x2b: {  	v6 =	vld [tilespmem:s19+$0xFFFFFC70]  }
0x2c: {  	v7 =	vld [tilespmem:s19+$0x60]  }
0x2d: {  	v0 =	vld [tilespmem:s19+$0x70]  }
0x2e: {  	v1 =	vld [tilespmem:s19+$0x460]  }
0x2f: {  	v16 =	vld [tilespmem:s19+$0xFFFFF840]  }
0x30: {  	v22 =	vld [tilespmem:s19+$0xFFFFF850]  }
0x31: {  	v23 =	vld [tilespmem:s19+$0xFFFFFC40]  }
0x32: {  	v24 =	vld [tilespmem:s19+$0xFFFFFC50]  }
0x33: {  	v25 =	vld [tilespmem:s19+$0x40]  }
0x34: {  	v8 =	vld [tilespmem:s19+$0x50]  }
0x35: {  	v9 =	vld [tilespmem:s19+$0x440]  }
0x36: {  	v15 =	vld [tilespmem:s19+$0xFFFFF820]  }
0x37: {  	v26 =	vld [tilespmem:s19+$0xFFFFF830]  }
0x38: {  	v27 =	vld [tilespmem:s19+$0xFFFFFC20]  }
0x39: {  	v28 =	vld [tilespmem:s19+$0xFFFFFC30]  }
0x3a: {  	v29 =	vld [tilespmem:s19+$0x20]  }
0x3b: {  	v13 =	vld [tilespmem:s19+$0xFFFFF800]  }
0x3c: {  	v14 =	vld [tilespmem:s19+$0xFFFFF810]  }
0x3d: {  	v31 =	vld [tilespmem:s19+$0xFFFFFC10]  }
0x3e: {  	v32 =	vld [tilespmem:s19+$0x0]  }
0x3f: {  	v12 =	vld [tilespmem:s19+$0x30]  }
0x40: {  	v30 =	vld [tilespmem:s19+$0xFFFFFC00]  }
0x41: {  	v10 =	vmax.bf16 v10, v13;
	v13 =	vld [tilespmem:s19+$0x420]  }
0x42: {  	v11 =	vmax.bf16 v11, v14;
	v14 =	vld [tilespmem:s19+$0x10]  }
0x43: {  	v18 =	vmax.bf16 v18, v31;
	v19 =	vmax.bf16 v19, v32;
	v10 =	vmax.bf16 v10, v15;
	v15 =	vld [tilespmem:s19+$0x400]  }
0x44: {  	v11 =	vmax.bf16 v11, v26;
	v18 =	vmax.bf16 v18, v28;
	v10 =	vmax.bf16 v10, v16;
	v16 =	vld [tilespmem:s19+$0x410]  }
0x45: {  	v22 =	vmax.bf16 v11, v22;
	v11 =	vmax.bf16 v10, v20;
	v20 =	vmax.bf16 v17, v30;
	v17 =	vld [tilespmem:s19+$0x430]  }
0x46: {  	v10 =	vmax.bf16 v22, v21;
	v22 =	vmax.bf16 v19, v29;
	v19 =	vld [tilespmem:s19+$0x450];
	v20 =	vmax.bf16 v20, v27  }
0x47: {  	s18 =	simm.s32 $0x1;
	v21 =	vmax.bf16 v18, v24;
	v18 =	vld [tilespmem:s19+$0x470];
	s19 =	simm.s32 $0x3020;
	v22 =	vmax.bf16 v22, v25;
	v20 =	vmax.bf16 v20, v23  }
.LBB2_3:
0x48: {  	v23 =	vld [tilespmem:s19+$0xFFFFF860];
	v20 =	vmax.bf16 v20, v5;
	v21 =	vmax.bf16 v21, v6;
	v22 =	vmax.bf16 v22, v7  }
0x49: {  	v2 =	vmax.bf16 v2, v14;
	v3 =	vmax.bf16 v3, v15;
	v24 =	vld [tilespmem:s19+$0xFFFFF870];
	v4 =	vmax.bf16 v4, v16  }
0x4a: {  	v2 =	vmax.bf16 v2, v12;
	v3 =	vmax.bf16 v3, v13;
	v5 =	vld [tilespmem:s19+$0xFFFFFC60];
	v4 =	vmax.bf16 v4, v17  }
0x4b: {  	v2 =	vmax.bf16 v2, v8;
	v3 =	vmax.bf16 v3, v9;
	v6 =	vld [tilespmem:s19+$0xFFFFFC70];
	v4 =	vmax.bf16 v4, v19  }
0x4c: {  	v2 =	vmax.bf16 v2, v0;
	v3 =	vmax.bf16 v3, v1;
	v7 =	vld [tilespmem:s19+$0x60];
	v4 =	vmax.bf16 v4, v18  }
0x4d: {  	v0 =	vld [tilespmem:s19+$0x70]  }
0x4e: {  	v1 =	vld [tilespmem:s19+$0x460]  }
0x4f: {  	v16 =	vld [tilespmem:s19+$0xFFFFF840]  }
0x50: {  	v17 =	vld [tilespmem:s19+$0xFFFFF850]  }
0x51: {  	v18 =	vld [tilespmem:s19+$0xFFFFFC40]  }
0x52: {  	v25 =	vld [tilespmem:s19+$0xFFFFFC50]  }
0x53: {  	v26 =	vld [tilespmem:s19+$0x40]  }
0x54: {  	v8 =	vld [tilespmem:s19+$0x50]  }
0x55: {  	v9 =	vld [tilespmem:s19+$0x440]  }
0x56: {  	v15 =	vld [tilespmem:s19+$0xFFFFF820]  }
0x57: {  	v19 =	vld [tilespmem:s19+$0xFFFFF830]  }
0x58: {  	v27 =	vld [tilespmem:s19+$0xFFFFFC20]  }
0x59: {  	v28 =	vld [tilespmem:s19+$0xFFFFFC30]  }
0x5a: {  	v29 =	vld [tilespmem:s19+$0x20]  }
0x5b: {  	v13 =	vld [tilespmem:s19+$0xFFFFF800]  }
0x5c: {  	v14 =	vld [tilespmem:s19+$0xFFFFF810]  }
0x5d: {  	v12 =	vld [tilespmem:s19+$0x30]  }
0x5e: {  	v30 =	vld [tilespmem:s19+$0xFFFFFC00]  }
0x5f: {  	v31 =	vld [tilespmem:s19+$0xFFFFFC10]  }
0x60: {  	v32 =	vld [tilespmem:s19+$0x0]  }
0x61: {  	s18 =	sadd.s32 $0x4, s18;
	v11 =	vmax.bf16 v11, v13;
	v10 =	vmax.bf16 v10, v14;
	v13 =	vld [tilespmem:s19+$0x420]  }
0x62: {  	p0 =	slt.u32 s18, $0x19;
	v11 =	vmax.bf16 v11, v15;
	v14 =	vld [tilespmem:s19+$0x10];
	v10 =	vmax.bf16 v10, v19  }
.Ltmp0:
0x63: {  	v11 =	vmax.bf16 v11, v16;
	v15 =	vld [tilespmem:s19+$0x400];
	v10 =	vmax.bf16 v10, v17;
	(pc) =	sbr.rel @p0 .LBB2_3-.Ltmp0, $4  }
0x64: {  	v11 =	vmax.bf16 v11, v23;
	v16 =	vld [tilespmem:s19+$0x410];
	v10 =	vmax.bf16 v10, v24  }
0x65: {  	v19 =	vmax.bf16 v20, v30;
	v20 =	vmax.bf16 v21, v31;
	v21 =	vmax.bf16 v22, v32;
	v17 =	vld [tilespmem:s19+$0x430]  }
0x66: {  	v22 =	vmax.bf16 v19, v27;
	v23 =	vmax.bf16 v20, v28;
	v24 =	vmax.bf16 v21, v29;
	v19 =	vld [tilespmem:s19+$0x450]  }
0x67: {  	v20 =	vmax.bf16 v22, v18;
	v21 =	vmax.bf16 v23, v25;
	v22 =	vmax.bf16 v24, v26;
	v18 =	vld [tilespmem:s19+$0x470];
	s19 =	sadd.s32 $0x80, s19  }
0x68: {  	v23 =	vld [tilespmem:$0x2B20]  }
0x69: {  	v24 =	vld [tilespmem:$0x2B30]  }
0x6a: {  	v25 =	vld [tilespmem:$0x2F20]  }
0x6b: {  	v26 =	vld [tilespmem:$0x2F30]  }
0x6c: {  	v27 =	vld [tilespmem:$0x3320]  }
0x6d: {  	v28 =	vld [tilespmem:$0x3330]  }
0x6e: {  	v29 =	vld [tilespmem:$0x3720]  }
0x6f: {  	v30 =	vld [tilespmem:$0x3730]  }
0x70: {  	v31 =	vld [tilespmem:$0x2B40]  }
0x71: {  	v32 =	vld [tilespmem:$0x2B50]  }
0x72: {  	v33 =	vld [tilespmem:$0x2F40]  }
0x73: {  	v34 =	vld [tilespmem:$0x2F50]  }
0x74: {  	v35 =	vld [tilespmem:$0x3340]  }
0x75: {  	v36 =	vld [tilespmem:$0x3350]  }
0x76: {  	v37 =	vld [tilespmem:$0x3740]  }
0x77: {  	v38 =	vld [tilespmem:$0x3750]  }
0x78: {  	v39 =	vld [tilespmem:$0x2B60];
	v5 =	vmax.bf16 v20, v5;
	v6 =	vmax.bf16 v21, v6;
	v7 =	vmax.bf16 v22, v7  }
0x79: {  	v52 =	vld [tilespmem:$0x2B70];
	v2 =	vmax.bf16 v2, v14;
	v3 =	vmax.bf16 v3, v15;
	v4 =	vmax.bf16 v4, v16  }
0x7a: {  	v53 =	vld [tilespmem:$0x2F60];
	v2 =	vmax.bf16 v2, v12;
	v3 =	vmax.bf16 v3, v13;
	v4 =	vmax.bf16 v4, v17  }
0x7b: {  	v54 =	vld [tilespmem:$0x2F70];
	v2 =	vmax.bf16 v2, v8;
	v3 =	vmax.bf16 v3, v9;
	v4 =	vmax.bf16 v4, v19  }
0x7c: {  	v55 =	vld [tilespmem:$0x3360];
	v0 =	vmax.bf16 v2, v0;
	v1 =	vmax.bf16 v3, v1;
	v56 =	vmax.bf16 v11, v23  }
0x7d: {  	v57 =	vld [tilespmem:$0x3370];
	v4 =	vmax.bf16 v4, v18;
	v58 =	vmax.bf16 v10, v24;
	v2 =	vmax.bf16 v56, v31  }
0x7e: {  	v59 =	vld [tilespmem:$0x3760];
	v5 =	vmax.bf16 v5, v25;
	v9 =	vmax.bf16 v58, v32;
	v2 =	vmax.bf16 v2, v39  }
0x7f: {  	v60 =	vld [tilespmem:$0x3770];
	v6 =	vmax.bf16 v6, v26;
	v5 =	vmax.bf16 v5, v33;
	v9 =	vmax.bf16 v9, v52;
	[tilespmem:s17+$0x3780] =	vst v2  }
0x80: {  	s16 =	sadd.s32 $0x1, s16;
	v0 =	vmax.bf16 v0, v28;
	v6 =	vmax.bf16 v6, v34;
	v5 =	vmax.bf16 v5, v53;
	[tilespmem:s17+$0x3790] =	vst v9  }
0x81: {  	p0 =	sne.s32 s16, $0x4F;
	v1 =	vmax.bf16 v1, v29;
	v0 =	vmax.bf16 v0, v36;
	v6 =	vmax.bf16 v6, v54;
	[tilespmem:s17+$0x37A0] =	vst v5  }
.Ltmp1:
0x82: {  	v4 =	vmax.bf16 v4, v30;
	v1 =	vmax.bf16 v1, v37;
	v0 =	vmax.bf16 v0, v57;
	[tilespmem:s17+$0x37B0] =	vst v6;
	(pc) =	sbr.rel @p0 .LBB2_2-.Ltmp1, $4  }
0x83: {  	v61 =	vmax.bf16 v7, v27;
	v62 =	vmax.bf16 v4, v38;
	v1 =	vmax.bf16 v1, v59;
	[tilespmem:s17+$0x37D0] =	vst v0  }
0x84: {  	v63 =	vmax.bf16 v62, v60;
	v2 =	vmax.bf16 v61, v35;
	[tilespmem:s17+$0x37E0] =	vst v1  }
0x85: {  	[tilespmem:s17+$0x37F0] =	vst v63;
	v2 =	vmax.bf16 v2, v55  }
0x86: {  	[tilespmem:s17+$0x37C0] =	vst v2  }
0x87: {  	s15 =	sadd.s32 $0x1, s15  }
0x88: {  	p0 =	sne.s32 s15, s8  }
.Ltmp2:
0x89: {  	_ = 	snop;
	(pc) =	sbr.rel @p0 .LBB2_1-.Ltmp2, $4  }
0x8a: {  	[hbm4b:s7+s3] =	stream.linear.scatter [tilespmem:s14], [sflag:$0x2], $0x2780, $0x38;
	[tilespmem:$0xFF00] =	vst v63  }
0x8b: {  	_ =	swait.ge [sflag:s10], $0x2780  }
0x8c: {  	[sflag:s10] =	ssyncset.done $0x0  }
0x8d: {  	[sflag:s10] =	ssyncadd.s32 $0xFFFFD880  }
0x8e: {  	_ =	sfence.sel $0x180000  }
0x8f: {  	[bflag:$0x0] =	sbarrier.arrive $0xFFFF  }
0x90: {  	p0 =	sne.s32 s0, $0x0;
	_ =	strace $0x9000004A  }
0x91: {  	s0 =	sadd.s32 @!p0 $0x100000, s1;
	[bflag:$0x2] =	sbarrier.arrive $0xFFFF  }
0x92: {  	[sflag:s0] =	ssyncadd.tile.s32 @!p0 $0x1;
	_ =	shalt  }
.Lfunc_end2:
_tile_overlayer_lowered:
.L_overlay_start_2:
0x93: {  	(tag) =	ssettag $0x2  }
0x94: {  	s0 =	rddreg [dreg:$0x0];
	s2 =	stileid.u32  }
0x95: {  	s1 =	rddreg [dreg:$0x1];
	p0 =	sne.s32 s2, $0x0  }
0x96: {  	s3 =	rddreg [dreg:$0x2];
	[bflag:$0x3] =	sbarrier.arrive $0xFFFF;
	s2 =	simm.s32 @!p0 $0x1C02  }
0x97: {  	[timem:s3], [sflag:s2] =	dma.local @!p0 [hbm:s0], s1  }
0x98: {  	s0 =	simm.s32 @!p0 $0x2  }
0x99: {  	_ =	swait.ge @!p0 [sflag:s0], s1  }
0x9a: {  	s1 =	ssub.s32 @!p0 $0x0, s1;
	[sflag:s0] =	ssyncset.done @!p0 $0x0  }
0x9b: {  	[sflag:s0] =	ssyncadd.s32 @!p0 s1  }
0x9c: {  	[bflag:$0x3] =	sbarrier.arrive $0xFFFF  }
0x9d: {  	_ =	shalt  }

</sc_bundles>
